<compile_context>
chip_gen: v7x
topology: tpu7x:2x2x1
jax: 0.10.2.dev20260603
libtpu: 0.0.44.dev20260713+nightly
codegen_flags: <defaults>
</compile_context>

<pallas_src>
import functools

import jax
import jax.numpy as jnp
from jax import lax
from jax.experimental import pallas as pl
from jax.experimental.pallas import tpu as pltpu
from jax.experimental.pallas import tpu_sc as plsc

B, J, O, M, D = 64, 50, 50, 50, 128
JP = 64
_PAD = 1e30


def _sc_body(tjr_hbm, tma_hbm, jnm_hbm, sh_hbm, ash_hbm,
             tjr_v, tma_v, jnm_v, sh_v, ash_v):
    c = lax.axis_index("c")
    s = lax.axis_index("s")
    wid = s * 2 + c
    for r in range(B // 32):
        b = wid * (B // 32) + r
        pltpu.sync_copy(tjr_hbm.at[b], tjr_v)
        pltpu.sync_copy(tma_hbm.at[b], tma_v)
        pltpu.sync_copy(jnm_hbm.at[b], jnm_v)
        scheds = []
        tmas = []
        for ch in range(JP // 16):
            idx = jnm_v[pl.ds(ch * 16, 16)]
            g = plsc.load_gather(tma_v, [idx])
            scheds.append(jnp.maximum(tjr_v[pl.ds(ch * 16, 16)], g))
            tmas.append(tma_v[pl.ds(ch * 16, 16)])
        m1 = jnp.minimum(jnp.minimum(scheds[0], scheds[1]),
                         jnp.minimum(scheds[2], scheds[3]))
        mn1 = jnp.min(m1)
        m2 = jnp.minimum(jnp.minimum(tmas[0], tmas[1]),
                         jnp.minimum(tmas[2], tmas[3]))
        mn2 = jnp.min(m2)
        for ch in range(JP // 16):
            sh_v[pl.ds(ch * 16, 16)] = (scheds[ch] - mn1) * 0.01
            ash_v[pl.ds(ch * 16, 16)] = tmas[ch] - mn2
        pltpu.sync_copy(sh_v, sh_hbm.at[b])
        pltpu.sync_copy(ash_v, ash_hbm.at[b])


def _sc_prep(tjr_p, tma_p, jnm_p):
    mesh = plsc.VectorSubcoreMesh(core_axis_name="c", subcore_axis_name="s")
    fn = functools.partial(
        pl.kernel,
        out_type=[jax.ShapeDtypeStruct((B, JP), jnp.float32),
                  jax.ShapeDtypeStruct((B, JP), jnp.float32)],
        mesh=mesh,
        compiler_params=pltpu.CompilerParams(needs_layout_passes=False),
        scratch_types=[
            pltpu.VMEM((JP,), jnp.float32),
            pltpu.VMEM((JP,), jnp.float32),
            pltpu.VMEM((JP,), jnp.int32),
            pltpu.VMEM((JP,), jnp.float32),
            pltpu.VMEM((JP,), jnp.float32),
        ],
    )(_sc_body)
    return fn(tjr_p, tma_p, jnm_p)


BB = 4


def _tc_body(proc_ref, nof_ref, noi_ref, shs_ref, ash_ref, w2_ref, wma_ref,
             ops_ref, ma_ref):
    f32 = jnp.float32
    d = lax.broadcasted_iota(jnp.int32, (1, D), 1).astype(f32)
    half = jnp.float32(D // 2)
    dm = jnp.where(d < half, d, d - half)
    freq = jnp.exp(dm * jnp.float32(-jnp.log(10000.0) / (D // 2)))
    phase = jnp.where(d < half, 0.0, jnp.pi / 2).astype(f32)
    o_col = lax.broadcasted_iota(jnp.int32, (O, 1), 0).astype(f32)
    ang_o = o_col * freq
    s_o = jnp.sin(ang_o)[None, None]
    c_o = jnp.cos(ang_o)[None, None]
    n = nof_ref[...]
    ang_n = n * freq[None] + phase[None]
    s_n = jnp.sin(ang_n)[:, :, None]
    c_n = jnp.cos(ang_n)[:, :, None]
    pe = s_o * c_n + c_o * s_n
    coef_a = proc_ref[...] * 0.01
    w0 = w2_ref[0:1, :][None, None]
    w1 = w2_ref[1:2, :]
    r_row = shs_ref[...] * w1[None]
    o4 = lax.broadcasted_iota(jnp.int32, (BB, J, O, D), 2)
    n4 = noi_ref[...][..., None]
    term2 = jnp.where(o4 == n4, r_row[:, :, None, :], 0.0)
    ops_ref[...] = coef_a[..., None] * w0 + pe + term2
    ma_ref[...] = ash_ref[...] * wma_ref[0:1, :][None]


def _tc_embed(proc_times, nof, noi, shs, ash, w2, wma):
    return pl.pallas_call(
        _tc_body,
        grid=(B // BB,),
        in_specs=[
            pl.BlockSpec((BB, J, O), lambda b: (b, 0, 0)),
            pl.BlockSpec((BB, J, 1), lambda b: (b, 0, 0)),
            pl.BlockSpec((BB, J, 1), lambda b: (b, 0, 0)),
            pl.BlockSpec((BB, J, 1), lambda b: (b, 0, 0)),
            pl.BlockSpec((BB, M, 1), lambda b: (b, 0, 0)),
            pl.BlockSpec((2, D), lambda b: (0, 0)),
            pl.BlockSpec((1, D), lambda b: (0, 0)),
        ],
        out_specs=[
            pl.BlockSpec((BB, J, O, D), lambda b: (b, 0, 0, 0)),
            pl.BlockSpec((BB, M, D), lambda b: (b, 0, 0)),
        ],
        out_shape=[
            jax.ShapeDtypeStruct((B, J, O, D), jnp.float32),
            jax.ShapeDtypeStruct((B, M, D), jnp.float32),
        ],
    )(proc_times, nof, noi, shs, ash, w2, wma)


def kernel(proc_times, time_job_ready, time_ma_ready, next_op, job_next_ma,
           W_ops, W_ma):
    tjr_p = jnp.pad(time_job_ready, ((0, 0), (0, JP - J)),
                    constant_values=_PAD)
    tma_p = jnp.pad(time_ma_ready, ((0, 0), (0, JP - M)),
                    constant_values=_PAD)
    jnm_p = jnp.pad(job_next_ma.astype(jnp.int32), ((0, 0), (0, JP - J)))
    sh_full, ash_full = _sc_prep(tjr_p, tma_p, jnm_p)
    shs = sh_full[:, :J].reshape(B, J, 1)
    ash = ash_full[:, :M].reshape(B, M, 1)
    nof = next_op.astype(jnp.float32).reshape(B, J, 1)
    noi = next_op.astype(jnp.int32).reshape(B, J, 1)
    w2 = W_ops.T
    wma = W_ma.T
    ops_emb, ma_emb = _tc_embed(proc_times, nof, noi, shs, ash, w2, wma)
    return (ops_emb, ma_emb)

# --- scband reference (transcript-rebuilt; emitter-appended) ---
"""Pipeline reference for scband-multi-agent-jsspinit-embedding-55181739819139 (READ-ONLY COPY).

The authoritative reference and input builder live on the scoring server;
editing this copy changes nothing except your own understanding.
"""

import jax, jax.numpy as jnp
import numpy as np

EMBED_DIM = 128
SCALING = 100.0


def sinusoidal_pe(positions, d_model):
    # positions: float array [...]; returns [..., d_model]
    i = jnp.arange(d_model // 2, dtype=jnp.float32)
    div = jnp.exp(-jnp.log(10000.0) * (2.0 * i) / d_model)
    ang = positions[..., None] * div
    return jnp.concatenate([jnp.sin(ang), jnp.cos(ang)], axis=-1)


def setup_inputs(seed: int = 0) -> dict:
    key = jax.random.key(seed)
    ks = jax.random.split(key, 7)
    B, J, O, M, D = 64, 50, 50, 50, EMBED_DIM
    proc_times = jax.random.uniform(ks[0], (B, J, O), dtype=jnp.float32) * 20.0
    time_job_ready = jax.random.uniform(ks[1], (B, J), dtype=jnp.float32) * 50.0
    time_ma_ready = jax.random.uniform(ks[2], (B, M), dtype=jnp.float32) * 50.0
    next_op = jax.random.randint(ks[3], (B, J), 0, O)
    job_next_ma = jax.random.randint(ks[4], (B, J), 0, M)
    W_ops = jax.random.normal(ks[5], (D, 2), dtype=jnp.float32) / np.sqrt(2.0)
    W_ma = jax.random.normal(ks[6], (D, 1), dtype=jnp.float32)
    return {
        "proc_times": proc_times,
        "time_job_ready": time_job_ready,
        "time_ma_ready": time_ma_ready,
        "next_op": next_op,
        "job_next_ma": job_next_ma,
        "W_ops": W_ops,
        "W_ma": W_ma,
    }


def reference(proc_times, time_job_ready, time_ma_ready, next_op, job_next_ma, W_ops, W_ma):
    B, J, O = proc_times.shape
    # a_ma = time_ma_ready.gather(1, job_next_ma)
    a_ma = jnp.take_along_axis(time_ma_ready, job_next_ma, axis=1)
    schedulable_at = jnp.maximum(time_job_ready, a_ma)
    sh = schedulable_at - jnp.min(schedulable_at, axis=1, keepdims=True)
    # op_ready_feat.scatter_add_(2, next_op.unsqueeze(2), expanded src):
    # torch only scatters index-shaped slice -> one value sh[b,j] added at (b,j,next_op[b,j])
    op_ready = jnp.zeros_like(proc_times)
    bidx = jnp.arange(B)[:, None]
    jidx = jnp.arange(J)[None, :]
    op_ready = op_ready.at[bidx, jidx, next_op].add(sh)
    feats = jnp.stack([proc_times / SCALING, op_ready / SCALING], axis=-1)  # [B,J,O,2]
    ops_emb = feats @ W_ops.T  # Linear(2, D, bias=False) -> [B,J,O,D]
    # PositionalEncodingWithOffset (eval mode, dropout=0): sinusoidal PE at positions arange(O)+offset
    positions = (jnp.arange(O)[None, None, :] + next_op[:, :, None]).astype(jnp.float32)
    ops_emb = ops_emb + sinusoidal_pe(positions, EMBED_DIM)
    a_ma_sh = time_ma_ready - jnp.min(time_ma_ready, axis=1, keepdims=True)
    ma_emb = a_ma_sh[..., None] @ W_ma.T  # Linear(1, D, bias=False) -> [B,M,D]
    return (ops_emb, ma_emb)

if __name__ == "__main__":
    import jax
    _d = setup_inputs()
    print(jax.jit(kernel)(*tuple(_d.values())))

</pallas_src>

<mosaic_0001>
#map = affine_map<(d0, d1) -> (0, 0)>
module attributes {stable_mosaic.version = 14 : i64} {
  func.func @_sc_body(%arg0: i32, %arg1: i32, %arg2: memref<64x64xf32, #tpu.memory_space<hbm>>, %arg3: memref<64x64xf32, #tpu.memory_space<hbm>>, %arg4: memref<64x64xi32, #tpu.memory_space<hbm>>, %arg5: memref<64x64xf32, #tpu.memory_space<hbm>>, %arg6: memref<64x64xf32, #tpu.memory_space<hbm>>, %arg7: memref<64xf32, #tpu.memory_space<vmem>>, %arg8: memref<64xf32, #tpu.memory_space<vmem>>, %arg9: memref<64xi32, #tpu.memory_space<vmem>>, %arg10: memref<64xf32, #tpu.memory_space<vmem>>, %arg11: memref<64xf32, #tpu.memory_space<vmem>>) attributes {dimension_semantics = [#tpu.dimension_semantics<core_parallel>, #tpu.dimension_semantics<subcore_parallel>], iteration_bounds = array<i64: 2, 16>, scalar_prefetch = 0 : i64, scratch_operands = 5 : i64, tpu.core_type = #tpu.core_type<sc_vector_subcore>, window_params = [{transform_indices = #map}, {transform_indices = #map}, {transform_indices = #map}, {transform_indices = #map}, {transform_indices = #map}]} {
    %mul3A = arith.constant 2 : i32
    %mul3A_0 = arith.muli %arg1, %mul3A : i32
    %add3A = arith.addi %mul3A_0, %arg0 : i32
    %mul3A_1 = arith.constant 2 : i32
    %mul3A_2 = arith.muli %add3A, %mul3A_1 : i32
    %add3A_3 = arith.constant 0 : i32
    %add3A_4 = arith.addi %mul3A_2, %add3A_3 : i32
    "tpu.region"() ({
      %run_scoped3A = tpu.sem_alloc : memref<!tpu.dma_semaphore, #tpu.memory_space<semaphore_mem>>
      %dma_start3A = arith.constant 0 : i32
      %dma_start3A_182 = tpu.memref_slice %arg2[%add3A_4, %dma_start3A] : memref<64x64xf32, #tpu.memory_space<hbm>> -> memref<1x64xf32, #tpu.memory_space<hbm>>
      %dma_start3A_183 = tpu.memref_squeeze %dma_start3A_182 : memref<1x64xf32, #tpu.memory_space<hbm>> -> memref<64xf32, #tpu.memory_space<hbm>>
      %dma_start3A_184 = arith.constant 0 : i32
      %dma_start3A_185 = tpu.memref_slice %arg2[%add3A_4, %dma_start3A_184] : memref<64x64xf32, #tpu.memory_space<hbm>> -> memref<1x64xf32, #tpu.memory_space<hbm>>
      %dma_start3A_186 = tpu.memref_squeeze %dma_start3A_185 : memref<1x64xf32, #tpu.memory_space<hbm>> -> memref<64xf32, #tpu.memory_space<hbm>>
      tpu.enqueue_dma source(%dma_start3A_186 : memref<64xf32, #tpu.memory_space<hbm>>) target(%arg7 : memref<64xf32, #tpu.memory_space<vmem>>) target_semaphore(%run_scoped3A : memref<!tpu.dma_semaphore, #tpu.memory_space<semaphore_mem>>)
      %dma_wait3A = arith.constant 0 : i32
      %dma_wait3A_187 = tpu.memref_slice %arg2[%add3A_4, %dma_wait3A] : memref<64x64xf32, #tpu.memory_space<hbm>> -> memref<1x64xf32, #tpu.memory_space<hbm>>
      %dma_wait3A_188 = tpu.memref_squeeze %dma_wait3A_187 : memref<1x64xf32, #tpu.memory_space<hbm>> -> memref<64xf32, #tpu.memory_space<hbm>>
      %dma_wait3A_189 = arith.constant 0 : i32
      %dma_wait3A_190 = tpu.memref_slice %arg2[%add3A_4, %dma_wait3A_189] : memref<64x64xf32, #tpu.memory_space<hbm>> -> memref<1x64xf32, #tpu.memory_space<hbm>>
      %dma_wait3A_191 = tpu.memref_squeeze %dma_wait3A_190 : memref<1x64xf32, #tpu.memory_space<hbm>> -> memref<64xf32, #tpu.memory_space<hbm>>
      tpu.wait_dma2 semaphore(%run_scoped3A : memref<!tpu.dma_semaphore, #tpu.memory_space<semaphore_mem>>) src(%dma_wait3A_191 : memref<64xf32, #tpu.memory_space<hbm>>) dst(%arg7 : memref<64xf32, #tpu.memory_space<vmem>>)
      tpu.yield
    }) : () -> ()
    "tpu.region"() ({
      %run_scoped3A = tpu.sem_alloc : memref<!tpu.dma_semaphore, #tpu.memory_space<semaphore_mem>>
      %dma_start3A = arith.constant 0 : i32
      %dma_start3A_182 = tpu.memref_slice %arg3[%add3A_4, %dma_start3A] : memref<64x64xf32, #tpu.memory_space<hbm>> -> memref<1x64xf32, #tpu.memory_space<hbm>>
      %dma_start3A_183 = tpu.memref_squeeze %dma_start3A_182 : memref<1x64xf32, #tpu.memory_space<hbm>> -> memref<64xf32, #tpu.memory_space<hbm>>
      %dma_start3A_184 = arith.constant 0 : i32
      %dma_start3A_185 = tpu.memref_slice %arg3[%add3A_4, %dma_start3A_184] : memref<64x64xf32, #tpu.memory_space<hbm>> -> memref<1x64xf32, #tpu.memory_space<hbm>>
      %dma_start3A_186 = tpu.memref_squeeze %dma_start3A_185 : memref<1x64xf32, #tpu.memory_space<hbm>> -> memref<64xf32, #tpu.memory_space<hbm>>
      tpu.enqueue_dma source(%dma_start3A_186 : memref<64xf32, #tpu.memory_space<hbm>>) target(%arg8 : memref<64xf32, #tpu.memory_space<vmem>>) target_semaphore(%run_scoped3A : memref<!tpu.dma_semaphore, #tpu.memory_space<semaphore_mem>>)
      %dma_wait3A = arith.constant 0 : i32
      %dma_wait3A_187 = tpu.memref_slice %arg3[%add3A_4, %dma_wait3A] : memref<64x64xf32, #tpu.memory_space<hbm>> -> memref<1x64xf32, #tpu.memory_space<hbm>>
      %dma_wait3A_188 = tpu.memref_squeeze %dma_wait3A_187 : memref<1x64xf32, #tpu.memory_space<hbm>> -> memref<64xf32, #tpu.memory_space<hbm>>
      %dma_wait3A_189 = arith.constant 0 : i32
      %dma_wait3A_190 = tpu.memref_slice %arg3[%add3A_4, %dma_wait3A_189] : memref<64x64xf32, #tpu.memory_space<hbm>> -> memref<1x64xf32, #tpu.memory_space<hbm>>
      %dma_wait3A_191 = tpu.memref_squeeze %dma_wait3A_190 : memref<1x64xf32, #tpu.memory_space<hbm>> -> memref<64xf32, #tpu.memory_space<hbm>>
      tpu.wait_dma2 semaphore(%run_scoped3A : memref<!tpu.dma_semaphore, #tpu.memory_space<semaphore_mem>>) src(%dma_wait3A_191 : memref<64xf32, #tpu.memory_space<hbm>>) dst(%arg8 : memref<64xf32, #tpu.memory_space<vmem>>)
      tpu.yield
    }) : () -> ()
    "tpu.region"() ({
      %run_scoped3A = tpu.sem_alloc : memref<!tpu.dma_semaphore, #tpu.memory_space<semaphore_mem>>
      %dma_start3A = arith.constant 0 : i32
      %dma_start3A_182 = tpu.memref_slice %arg4[%add3A_4, %dma_start3A] : memref<64x64xi32, #tpu.memory_space<hbm>> -> memref<1x64xi32, #tpu.memory_space<hbm>>
      %dma_start3A_183 = tpu.memref_squeeze %dma_start3A_182 : memref<1x64xi32, #tpu.memory_space<hbm>> -> memref<64xi32, #tpu.memory_space<hbm>>
      %dma_start3A_184 = arith.constant 0 : i32
      %dma_start3A_185 = tpu.memref_slice %arg4[%add3A_4, %dma_start3A_184] : memref<64x64xi32, #tpu.memory_space<hbm>> -> memref<1x64xi32, #tpu.memory_space<hbm>>
      %dma_start3A_186 = tpu.memref_squeeze %dma_start3A_185 : memref<1x64xi32, #tpu.memory_space<hbm>> -> memref<64xi32, #tpu.memory_space<hbm>>
      tpu.enqueue_dma source(%dma_start3A_186 : memref<64xi32, #tpu.memory_space<hbm>>) target(%arg9 : memref<64xi32, #tpu.memory_space<vmem>>) target_semaphore(%run_scoped3A : memref<!tpu.dma_semaphore, #tpu.memory_space<semaphore_mem>>)
      %dma_wait3A = arith.constant 0 : i32
      %dma_wait3A_187 = tpu.memref_slice %arg4[%add3A_4, %dma_wait3A] : memref<64x64xi32, #tpu.memory_space<hbm>> -> memref<1x64xi32, #tpu.memory_space<hbm>>
      %dma_wait3A_188 = tpu.memref_squeeze %dma_wait3A_187 : memref<1x64xi32, #tpu.memory_space<hbm>> -> memref<64xi32, #tpu.memory_space<hbm>>
      %dma_wait3A_189 = arith.constant 0 : i32
      %dma_wait3A_190 = tpu.memref_slice %arg4[%add3A_4, %dma_wait3A_189] : memref<64x64xi32, #tpu.memory_space<hbm>> -> memref<1x64xi32, #tpu.memory_space<hbm>>
      %dma_wait3A_191 = tpu.memref_squeeze %dma_wait3A_190 : memref<1x64xi32, #tpu.memory_space<hbm>> -> memref<64xi32, #tpu.memory_space<hbm>>
      tpu.wait_dma2 semaphore(%run_scoped3A : memref<!tpu.dma_semaphore, #tpu.memory_space<semaphore_mem>>) src(%dma_wait3A_191 : memref<64xi32, #tpu.memory_space<hbm>>) dst(%arg9 : memref<64xi32, #tpu.memory_space<vmem>>)
      tpu.yield
    }) : () -> ()
    %get3A = arith.constant 0 : index
    %get3A_5 = tpu.vector_load %arg9[%get3A] {strides = array<i32>} : memref<64xi32, #tpu.memory_space<vmem>>, vector<16xi32>,
    %gather3A = tpu.vector_load_idx %arg8[%get3A_5] : memref<64xf32, #tpu.memory_space<vmem>>[vector<16xi32>], vector<16xf32>,
    %get3A_6 = arith.constant 0 : index
    %get3A_7 = tpu.vector_load %arg7[%get3A_6] {strides = array<i32>} : memref<64xf32, #tpu.memory_space<vmem>>, vector<16xf32>,
    %max3A = arith.maximumf %get3A_7, %gather3A : vector<16xf32>
    %get3A_8 = arith.constant 0 : index
    %get3A_9 = tpu.vector_load %arg8[%get3A_8] {strides = array<i32>} : memref<64xf32, #tpu.memory_space<vmem>>, vector<16xf32>,
    %get3A_10 = arith.constant 16 : index
    %get3A_11 = tpu.vector_load %arg9[%get3A_10] {strides = array<i32>} : memref<64xi32, #tpu.memory_space<vmem>>, vector<16xi32>,
    %gather3A_12 = tpu.vector_load_idx %arg8[%get3A_11] : memref<64xf32, #tpu.memory_space<vmem>>[vector<16xi32>], vector<16xf32>,
    %get3A_13 = arith.constant 16 : index
    %get3A_14 = tpu.vector_load %arg7[%get3A_13] {strides = array<i32>} : memref<64xf32, #tpu.memory_space<vmem>>, vector<16xf32>,
    %max3A_15 = arith.maximumf %get3A_14, %gather3A_12 : vector<16xf32>
    %get3A_16 = arith.constant 16 : index
    %get3A_17 = tpu.vector_load %arg8[%get3A_16] {strides = array<i32>} : memref<64xf32, #tpu.memory_space<vmem>>, vector<16xf32>,
    %get3A_18 = arith.constant 32 : index
    %get3A_19 = tpu.vector_load %arg9[%get3A_18] {strides = array<i32>} : memref<64xi32, #tpu.memory_space<vmem>>, vector<16xi32>,
    %gather3A_20 = tpu.vector_load_idx %arg8[%get3A_19] : memref<64xf32, #tpu.memory_space<vmem>>[vector<16xi32>], vector<16xf32>,
    %get3A_21 = arith.constant 32 : index
    %get3A_22 = tpu.vector_load %arg7[%get3A_21] {strides = array<i32>} : memref<64xf32, #tpu.memory_space<vmem>>, vector<16xf32>,
    %max3A_23 = arith.maximumf %get3A_22, %gather3A_20 : vector<16xf32>
    %get3A_24 = arith.constant 32 : index
    %get3A_25 = tpu.vector_load %arg8[%get3A_24] {strides = array<i32>} : memref<64xf32, #tpu.memory_space<vmem>>, vector<16xf32>,
    %get3A_26 = arith.constant 48 : index
    %get3A_27 = tpu.vector_load %arg9[%get3A_26] {strides = array<i32>} : memref<64xi32, #tpu.memory_space<vmem>>, vector<16xi32>,
    %gather3A_28 = tpu.vector_load_idx %arg8[%get3A_27] : memref<64xf32, #tpu.memory_space<vmem>>[vector<16xi32>], vector<16xf32>,
    %get3A_29 = arith.constant 48 : index
    %get3A_30 = tpu.vector_load %arg7[%get3A_29] {strides = array<i32>} : memref<64xf32, #tpu.memory_space<vmem>>, vector<16xf32>,
    %max3A_31 = arith.maximumf %get3A_30, %gather3A_28 : vector<16xf32>
    %get3A_32 = arith.constant 48 : index
    %get3A_33 = tpu.vector_load %arg8[%get3A_32] {strides = array<i32>} : memref<64xf32, #tpu.memory_space<vmem>>, vector<16xf32>,
    %min3A = arith.minimumf %max3A, %max3A_15 : vector<16xf32>
    %min3A_34 = arith.minimumf %max3A_23, %max3A_31 : vector<16xf32>
    %min3A_35 = arith.minimumf %min3A, %min3A_34 : vector<16xf32>
    %reduce_min3A = arith.constant true
    %reduce_min3A_36 = vector.broadcast %reduce_min3A : i1 to vector<16xi1>
    %reduce_min3A_37 = tpu.scan <min>, %min3A_35 masked %reduce_min3A_36 : vector<16xf32>, vector<16xi1> -> vector<16xf32>
    %reduce_min3A_38 = vector.extract %reduce_min3A_37[15] : f32 from vector<16xf32>
    %min3A_39 = arith.minimumf %get3A_9, %get3A_17 : vector<16xf32>
    %min3A_40 = arith.minimumf %get3A_25, %get3A_33 : vector<16xf32>
    %min3A_41 = arith.minimumf %min3A_39, %min3A_40 : vector<16xf32>
    %reduce_min3A_42 = arith.constant true
    %reduce_min3A_43 = vector.broadcast %reduce_min3A_42 : i1 to vector<16xi1>
    %reduce_min3A_44 = tpu.scan <min>, %min3A_41 masked %reduce_min3A_43 : vector<16xf32>, vector<16xi1> -> vector<16xf32>
    %reduce_min3A_45 = vector.extract %reduce_min3A_44[15] : f32 from vector<16xf32>
    %sub3A = vector.broadcast %reduce_min3A_38 : f32 to vector<16xf32>
    %sub3A_46 = arith.subf %max3A, %sub3A : vector<16xf32>
    %mul3A_47 = arith.constant 0.00999999977 : f32
    %mul3A_48 = vector.broadcast %mul3A_47 : f32 to vector<16xf32>
    %mul3A_49 = arith.mulf %sub3A_46, %mul3A_48 : vector<16xf32>
    %swap3A = arith.constant 0 : index
    %swap3A_50 = tpu.vector_load %arg10[%swap3A] {strides = array<i32>} : memref<64xf32, #tpu.memory_space<vmem>>, vector<16xf32>,
    tpu.vector_store %arg10[%swap3A], %mul3A_49 {strides = array<i32>} : memref<64xf32, #tpu.memory_space<vmem>>, vector<16xf32>,
    %sub3A_51 = vector.broadcast %reduce_min3A_45 : f32 to vector<16xf32>
    %sub3A_52 = arith.subf %get3A_9, %sub3A_51 : vector<16xf32>
    %swap3A_53 = arith.constant 0 : index
    %swap3A_54 = tpu.vector_load %arg11[%swap3A_53] {strides = array<i32>} : memref<64xf32, #tpu.memory_space<vmem>>, vector<16xf32>,
    tpu.vector_store %arg11[%swap3A_53], %sub3A_52 {strides = array<i32>} : memref<64xf32, #tpu.memory_space<vmem>>, vector<16xf32>,
    %sub3A_55 = vector.broadcast %reduce_min3A_38 : f32 to vector<16xf32>
    %sub3A_56 = arith.subf %max3A_15, %sub3A_55 : vector<16xf32>
    %mul3A_57 = arith.constant 0.00999999977 : f32
    %mul3A_58 = vector.broadcast %mul3A_57 : f32 to vector<16xf32>
    %mul3A_59 = arith.mulf %sub3A_56, %mul3A_58 : vector<16xf32>
    %swap3A_60 = arith.constant 16 : index
    %swap3A_61 = tpu.vector_load %arg10[%swap3A_60] {strides = array<i32>} : memref<64xf32, #tpu.memory_space<vmem>>, vector<16xf32>,
    tpu.vector_store %arg10[%swap3A_60], %mul3A_59 {strides = array<i32>} : memref<64xf32, #tpu.memory_space<vmem>>, vector<16xf32>,
    %sub3A_62 = vector.broadcast %reduce_min3A_45 : f32 to vector<16xf32>
    %sub3A_63 = arith.subf %get3A_17, %sub3A_62 : vector<16xf32>
    %swap3A_64 = arith.constant 16 : index
    %swap3A_65 = tpu.vector_load %arg11[%swap3A_64] {strides = array<i32>} : memref<64xf32, #tpu.memory_space<vmem>>, vector<16xf32>,
    tpu.vector_store %arg11[%swap3A_64], %sub3A_63 {strides = array<i32>} : memref<64xf32, #tpu.memory_space<vmem>>, vector<16xf32>,
    %sub3A_66 = vector.broadcast %reduce_min3A_38 : f32 to vector<16xf32>
    %sub3A_67 = arith.subf %max3A_23, %sub3A_66 : vector<16xf32>
    %mul3A_68 = arith.constant 0.00999999977 : f32
    %mul3A_69 = vector.broadcast %mul3A_68 : f32 to vector<16xf32>
    %mul3A_70 = arith.mulf %sub3A_67, %mul3A_69 : vector<16xf32>
    %swap3A_71 = arith.constant 32 : index
    %swap3A_72 = tpu.vector_load %arg10[%swap3A_71] {strides = array<i32>} : memref<64xf32, #tpu.memory_space<vmem>>, vector<16xf32>,
    tpu.vector_store %arg10[%swap3A_71], %mul3A_70 {strides = array<i32>} : memref<64xf32, #tpu.memory_space<vmem>>, vector<16xf32>,
    %sub3A_73 = vector.broadcast %reduce_min3A_45 : f32 to vector<16xf32>
    %sub3A_74 = arith.subf %get3A_25, %sub3A_73 : vector<16xf32>
    %swap3A_75 = arith.constant 32 : index
    %swap3A_76 = tpu.vector_load %arg11[%swap3A_75] {strides = array<i32>} : memref<64xf32, #tpu.memory_space<vmem>>, vector<16xf32>,
    tpu.vector_store %arg11[%swap3A_75], %sub3A_74 {strides = array<i32>} : memref<64xf32, #tpu.memory_space<vmem>>, vector<16xf32>,
    %sub3A_77 = vector.broadcast %reduce_min3A_38 : f32 to vector<16xf32>
    %sub3A_78 = arith.subf %max3A_31, %sub3A_77 : vector<16xf32>
    %mul3A_79 = arith.constant 0.00999999977 : f32
    %mul3A_80 = vector.broadcast %mul3A_79 : f32 to vector<16xf32>
    %mul3A_81 = arith.mulf %sub3A_78, %mul3A_80 : vector<16xf32>
    %swap3A_82 = arith.constant 48 : index
    %swap3A_83 = tpu.vector_load %arg10[%swap3A_82] {strides = array<i32>} : memref<64xf32, #tpu.memory_space<vmem>>, vector<16xf32>,
    tpu.vector_store %arg10[%swap3A_82], %mul3A_81 {strides = array<i32>} : memref<64xf32, #tpu.memory_space<vmem>>, vector<16xf32>,
    %sub3A_84 = vector.broadcast %reduce_min3A_45 : f32 to vector<16xf32>
    %sub3A_85 = arith.subf %get3A_33, %sub3A_84 : vector<16xf32>
    %swap3A_86 = arith.constant 48 : index
    %swap3A_87 = tpu.vector_load %arg11[%swap3A_86] {strides = array<i32>} : memref<64xf32, #tpu.memory_space<vmem>>, vector<16xf32>,
    tpu.vector_store %arg11[%swap3A_86], %sub3A_85 {strides = array<i32>} : memref<64xf32, #tpu.memory_space<vmem>>, vector<16xf32>,
    "tpu.region"() ({
      %run_scoped3A = tpu.sem_alloc : memref<!tpu.dma_semaphore, #tpu.memory_space<semaphore_mem>>
      %dma_start3A = arith.constant 0 : i32
      %dma_start3A_182 = tpu.memref_slice %arg5[%add3A_4, %dma_start3A] : memref<64x64xf32, #tpu.memory_space<hbm>> -> memref<1x64xf32, #tpu.memory_space<hbm>>
      %dma_start3A_183 = tpu.memref_squeeze %dma_start3A_182 : memref<1x64xf32, #tpu.memory_space<hbm>> -> memref<64xf32, #tpu.memory_space<hbm>>
      %dma_start3A_184 = arith.constant 0 : i32
      %dma_start3A_185 = tpu.memref_slice %arg5[%add3A_4, %dma_start3A_184] : memref<64x64xf32, #tpu.memory_space<hbm>> -> memref<1x64xf32, #tpu.memory_space<hbm>>
      %dma_start3A_186 = tpu.memref_squeeze %dma_start3A_185 : memref<1x64xf32, #tpu.memory_space<hbm>> -> memref<64xf32, #tpu.memory_space<hbm>>
      tpu.enqueue_dma source(%arg10 : memref<64xf32, #tpu.memory_space<vmem>>) target(%dma_start3A_186 : memref<64xf32, #tpu.memory_space<hbm>>) target_semaphore(%run_scoped3A : memref<!tpu.dma_semaphore, #tpu.memory_space<semaphore_mem>>)
      %dma_wait3A = arith.constant 0 : i32
      %dma_wait3A_187 = tpu.memref_slice %arg5[%add3A_4, %dma_wait3A] : memref<64x64xf32, #tpu.memory_space<hbm>> -> memref<1x64xf32, #tpu.memory_space<hbm>>
      %dma_wait3A_188 = tpu.memref_squeeze %dma_wait3A_187 : memref<1x64xf32, #tpu.memory_space<hbm>> -> memref<64xf32, #tpu.memory_space<hbm>>
      %dma_wait3A_189 = arith.constant 0 : i32
      %dma_wait3A_190 = tpu.memref_slice %arg5[%add3A_4, %dma_wait3A_189] : memref<64x64xf32, #tpu.memory_space<hbm>> -> memref<1x64xf32, #tpu.memory_space<hbm>>
      %dma_wait3A_191 = tpu.memref_squeeze %dma_wait3A_190 : memref<1x64xf32, #tpu.memory_space<hbm>> -> memref<64xf32, #tpu.memory_space<hbm>>
      tpu.wait_dma2 semaphore(%run_scoped3A : memref<!tpu.dma_semaphore, #tpu.memory_space<semaphore_mem>>) src(%arg10 : memref<64xf32, #tpu.memory_space<vmem>>) dst(%dma_wait3A_191 : memref<64xf32, #tpu.memory_space<hbm>>)
      tpu.yield
    }) : () -> ()
    "tpu.region"() ({
      %run_scoped3A = tpu.sem_alloc : memref<!tpu.dma_semaphore, #tpu.memory_space<semaphore_mem>>
      %dma_start3A = arith.constant 0 : i32
      %dma_start3A_182 = tpu.memref_slice %arg6[%add3A_4, %dma_start3A] : memref<64x64xf32, #tpu.memory_space<hbm>> -> memref<1x64xf32, #tpu.memory_space<hbm>>
      %dma_start3A_183 = tpu.memref_squeeze %dma_start3A_182 : memref<1x64xf32, #tpu.memory_space<hbm>> -> memref<64xf32, #tpu.memory_space<hbm>>
      %dma_start3A_184 = arith.constant 0 : i32
      %dma_start3A_185 = tpu.memref_slice %arg6[%add3A_4, %dma_start3A_184] : memref<64x64xf32, #tpu.memory_space<hbm>> -> memref<1x64xf32, #tpu.memory_space<hbm>>
      %dma_start3A_186 = tpu.memref_squeeze %dma_start3A_185 : memref<1x64xf32, #tpu.memory_space<hbm>> -> memref<64xf32, #tpu.memory_space<hbm>>
      tpu.enqueue_dma source(%arg11 : memref<64xf32, #tpu.memory_space<vmem>>) target(%dma_start3A_186 : memref<64xf32, #tpu.memory_space<hbm>>) target_semaphore(%run_scoped3A : memref<!tpu.dma_semaphore, #tpu.memory_space<semaphore_mem>>)
      %dma_wait3A = arith.constant 0 : i32
      %dma_wait3A_187 = tpu.memref_slice %arg6[%add3A_4, %dma_wait3A] : memref<64x64xf32, #tpu.memory_space<hbm>> -> memref<1x64xf32, #tpu.memory_space<hbm>>
      %dma_wait3A_188 = tpu.memref_squeeze %dma_wait3A_187 : memref<1x64xf32, #tpu.memory_space<hbm>> -> memref<64xf32, #tpu.memory_space<hbm>>
      %dma_wait3A_189 = arith.constant 0 : i32
      %dma_wait3A_190 = tpu.memref_slice %arg6[%add3A_4, %dma_wait3A_189] : memref<64x64xf32, #tpu.memory_space<hbm>> -> memref<1x64xf32, #tpu.memory_space<hbm>>
      %dma_wait3A_191 = tpu.memref_squeeze %dma_wait3A_190 : memref<1x64xf32, #tpu.memory_space<hbm>> -> memref<64xf32, #tpu.memory_space<hbm>>
      tpu.wait_dma2 semaphore(%run_scoped3A : memref<!tpu.dma_semaphore, #tpu.memory_space<semaphore_mem>>) src(%arg11 : memref<64xf32, #tpu.memory_space<vmem>>) dst(%dma_wait3A_191 : memref<64xf32, #tpu.memory_space<hbm>>)
      tpu.yield
    }) : () -> ()
    %mul3A_88 = arith.constant 2 : i32
    %mul3A_89 = arith.muli %add3A, %mul3A_88 : i32
    %add3A_90 = arith.constant 1 : i32
    %add3A_91 = arith.addi %mul3A_89, %add3A_90 : i32
    "tpu.region"() ({
      %run_scoped3A = tpu.sem_alloc : memref<!tpu.dma_semaphore, #tpu.memory_space<semaphore_mem>>
      %dma_start3A = arith.constant 0 : i32
      %dma_start3A_182 = tpu.memref_slice %arg2[%add3A_91, %dma_start3A] : memref<64x64xf32, #tpu.memory_space<hbm>> -> memref<1x64xf32, #tpu.memory_space<hbm>>
      %dma_start3A_183 = tpu.memref_squeeze %dma_start3A_182 : memref<1x64xf32, #tpu.memory_space<hbm>> -> memref<64xf32, #tpu.memory_space<hbm>>
      %dma_start3A_184 = arith.constant 0 : i32
      %dma_start3A_185 = tpu.memref_slice %arg2[%add3A_91, %dma_start3A_184] : memref<64x64xf32, #tpu.memory_space<hbm>> -> memref<1x64xf32, #tpu.memory_space<hbm>>
      %dma_start3A_186 = tpu.memref_squeeze %dma_start3A_185 : memref<1x64xf32, #tpu.memory_space<hbm>> -> memref<64xf32, #tpu.memory_space<hbm>>
      tpu.enqueue_dma source(%dma_start3A_186 : memref<64xf32, #tpu.memory_space<hbm>>) target(%arg7 : memref<64xf32, #tpu.memory_space<vmem>>) target_semaphore(%run_scoped3A : memref<!tpu.dma_semaphore, #tpu.memory_space<semaphore_mem>>)
      %dma_wait3A = arith.constant 0 : i32
      %dma_wait3A_187 = tpu.memref_slice %arg2[%add3A_91, %dma_wait3A] : memref<64x64xf32, #tpu.memory_space<hbm>> -> memref<1x64xf32, #tpu.memory_space<hbm>>
      %dma_wait3A_188 = tpu.memref_squeeze %dma_wait3A_187 : memref<1x64xf32, #tpu.memory_space<hbm>> -> memref<64xf32, #tpu.memory_space<hbm>>
      %dma_wait3A_189 = arith.constant 0 : i32
      %dma_wait3A_190 = tpu.memref_slice %arg2[%add3A_91, %dma_wait3A_189] : memref<64x64xf32, #tpu.memory_space<hbm>> -> memref<1x64xf32, #tpu.memory_space<hbm>>
      %dma_wait3A_191 = tpu.memref_squeeze %dma_wait3A_190 : memref<1x64xf32, #tpu.memory_space<hbm>> -> memref<64xf32, #tpu.memory_space<hbm>>
      tpu.wait_dma2 semaphore(%run_scoped3A : memref<!tpu.dma_semaphore, #tpu.memory_space<semaphore_mem>>) src(%dma_wait3A_191 : memref<64xf32, #tpu.memory_space<hbm>>) dst(%arg7 : memref<64xf32, #tpu.memory_space<vmem>>)
      tpu.yield
    }) : () -> ()
    "tpu.region"() ({
      %run_scoped3A = tpu.sem_alloc : memref<!tpu.dma_semaphore, #tpu.memory_space<semaphore_mem>>
      %dma_start3A = arith.constant 0 : i32
      %dma_start3A_182 = tpu.memref_slice %arg3[%add3A_91, %dma_start3A] : memref<64x64xf32, #tpu.memory_space<hbm>> -> memref<1x64xf32, #tpu.memory_space<hbm>>
      %dma_start3A_183 = tpu.memref_squeeze %dma_start3A_182 : memref<1x64xf32, #tpu.memory_space<hbm>> -> memref<64xf32, #tpu.memory_space<hbm>>
      %dma_start3A_184 = arith.constant 0 : i32
      %dma_start3A_185 = tpu.memref_slice %arg3[%add3A_91, %dma_start3A_184] : memref<64x64xf32, #tpu.memory_space<hbm>> -> memref<1x64xf32, #tpu.memory_space<hbm>>
      %dma_start3A_186 = tpu.memref_squeeze %dma_start3A_185 : memref<1x64xf32, #tpu.memory_space<hbm>> -> memref<64xf32, #tpu.memory_space<hbm>>
      tpu.enqueue_dma source(%dma_start3A_186 : memref<64xf32, #tpu.memory_space<hbm>>) target(%arg8 : memref<64xf32, #tpu.memory_space<vmem>>) target_semaphore(%run_scoped3A : memref<!tpu.dma_semaphore, #tpu.memory_space<semaphore_mem>>)
      %dma_wait3A = arith.constant 0 : i32
      %dma_wait3A_187 = tpu.memref_slice %arg3[%add3A_91, %dma_wait3A] : memref<64x64xf32, #tpu.memory_space<hbm>> -> memref<1x64xf32, #tpu.memory_space<hbm>>
      %dma_wait3A_188 = tpu.memref_squeeze %dma_wait3A_187 : memref<1x64xf32, #tpu.memory_space<hbm>> -> memref<64xf32, #tpu.memory_space<hbm>>
      %dma_wait3A_189 = arith.constant 0 : i32
      %dma_wait3A_190 = tpu.memref_slice %arg3[%add3A_91, %dma_wait3A_189] : memref<64x64xf32, #tpu.memory_space<hbm>> -> memref<1x64xf32, #tpu.memory_space<hbm>>
      %dma_wait3A_191 = tpu.memref_squeeze %dma_wait3A_190 : memref<1x64xf32, #tpu.memory_space<hbm>> -> memref<64xf32, #tpu.memory_space<hbm>>
      tpu.wait_dma2 semaphore(%run_scoped3A : memref<!tpu.dma_semaphore, #tpu.memory_space<semaphore_mem>>) src(%dma_wait3A_191 : memref<64xf32, #tpu.memory_space<hbm>>) dst(%arg8 : memref<64xf32, #tpu.memory_space<vmem>>)
      tpu.yield
    }) : () -> ()
    "tpu.region"() ({
      %run_scoped3A = tpu.sem_alloc : memref<!tpu.dma_semaphore, #tpu.memory_space<semaphore_mem>>
      %dma_start3A = arith.constant 0 : i32
      %dma_start3A_182 = tpu.memref_slice %arg4[%add3A_91, %dma_start3A] : memref<64x64xi32, #tpu.memory_space<hbm>> -> memref<1x64xi32, #tpu.memory_space<hbm>>
      %dma_start3A_183 = tpu.memref_squeeze %dma_start3A_182 : memref<1x64xi32, #tpu.memory_space<hbm>> -> memref<64xi32, #tpu.memory_space<hbm>>
      %dma_start3A_184 = arith.constant 0 : i32
      %dma_start3A_185 = tpu.memref_slice %arg4[%add3A_91, %dma_start3A_184] : memref<64x64xi32, #tpu.memory_space<hbm>> -> memref<1x64xi32, #tpu.memory_space<hbm>>
      %dma_start3A_186 = tpu.memref_squeeze %dma_start3A_185 : memref<1x64xi32, #tpu.memory_space<hbm>> -> memref<64xi32, #tpu.memory_space<hbm>>
      tpu.enqueue_dma source(%dma_start3A_186 : memref<64xi32, #tpu.memory_space<hbm>>) target(%arg9 : memref<64xi32, #tpu.memory_space<vmem>>) target_semaphore(%run_scoped3A : memref<!tpu.dma_semaphore, #tpu.memory_space<semaphore_mem>>)
      %dma_wait3A = arith.constant 0 : i32
      %dma_wait3A_187 = tpu.memref_slice %arg4[%add3A_91, %dma_wait3A] : memref<64x64xi32, #tpu.memory_space<hbm>> -> memref<1x64xi32, #tpu.memory_space<hbm>>
      %dma_wait3A_188 = tpu.memref_squeeze %dma_wait3A_187 : memref<1x64xi32, #tpu.memory_space<hbm>> -> memref<64xi32, #tpu.memory_space<hbm>>
      %dma_wait3A_189 = arith.constant 0 : i32
      %dma_wait3A_190 = tpu.memref_slice %arg4[%add3A_91, %dma_wait3A_189] : memref<64x64xi32, #tpu.memory_space<hbm>> -> memref<1x64xi32, #tpu.memory_space<hbm>>
      %dma_wait3A_191 = tpu.memref_squeeze %dma_wait3A_190 : memref<1x64xi32, #tpu.memory_space<hbm>> -> memref<64xi32, #tpu.memory_space<hbm>>
      tpu.wait_dma2 semaphore(%run_scoped3A : memref<!tpu.dma_semaphore, #tpu.memory_space<semaphore_mem>>) src(%dma_wait3A_191 : memref<64xi32, #tpu.memory_space<hbm>>) dst(%arg9 : memref<64xi32, #tpu.memory_space<vmem>>)
      tpu.yield
    }) : () -> ()
    %get3A_92 = arith.constant 0 : index
    %get3A_93 = tpu.vector_load %arg9[%get3A_92] {strides = array<i32>} : memref<64xi32, #tpu.memory_space<vmem>>, vector<16xi32>,
    %gather3A_94 = tpu.vector_load_idx %arg8[%get3A_93] : memref<64xf32, #tpu.memory_space<vmem>>[vector<16xi32>], vector<16xf32>,
    %get3A_95 = arith.constant 0 : index
    %get3A_96 = tpu.vector_load %arg7[%get3A_95] {strides = array<i32>} : memref<64xf32, #tpu.memory_space<vmem>>, vector<16xf32>,
    %max3A_97 = arith.maximumf %get3A_96, %gather3A_94 : vector<16xf32>
    %get3A_98 = arith.constant 0 : index
    %get3A_99 = tpu.vector_load %arg8[%get3A_98] {strides = array<i32>} : memref<64xf32, #tpu.memory_space<vmem>>, vector<16xf32>,
    %get3A_100 = arith.constant 16 : index
    %get3A_101 = tpu.vector_load %arg9[%get3A_100] {strides = array<i32>} : memref<64xi32, #tpu.memory_space<vmem>>, vector<16xi32>,
    %gather3A_102 = tpu.vector_load_idx %arg8[%get3A_101] : memref<64xf32, #tpu.memory_space<vmem>>[vector<16xi32>], vector<16xf32>,
    %get3A_103 = arith.constant 16 : index
    %get3A_104 = tpu.vector_load %arg7[%get3A_103] {strides = array<i32>} : memref<64xf32, #tpu.memory_space<vmem>>, vector<16xf32>,
    %max3A_105 = arith.maximumf %get3A_104, %gather3A_102 : vector<16xf32>
    %get3A_106 = arith.constant 16 : index
    %get3A_107 = tpu.vector_load %arg8[%get3A_106] {strides = array<i32>} : memref<64xf32, #tpu.memory_space<vmem>>, vector<16xf32>,
    %get3A_108 = arith.constant 32 : index
    %get3A_109 = tpu.vector_load %arg9[%get3A_108] {strides = array<i32>} : memref<64xi32, #tpu.memory_space<vmem>>, vector<16xi32>,
    %gather3A_110 = tpu.vector_load_idx %arg8[%get3A_109] : memref<64xf32, #tpu.memory_space<vmem>>[vector<16xi32>], vector<16xf32>,
    %get3A_111 = arith.constant 32 : index
    %get3A_112 = tpu.vector_load %arg7[%get3A_111] {strides = array<i32>} : memref<64xf32, #tpu.memory_space<vmem>>, vector<16xf32>,
    %max3A_113 = arith.maximumf %get3A_112, %gather3A_110 : vector<16xf32>
    %get3A_114 = arith.constant 32 : index
    %get3A_115 = tpu.vector_load %arg8[%get3A_114] {strides = array<i32>} : memref<64xf32, #tpu.memory_space<vmem>>, vector<16xf32>,
    %get3A_116 = arith.constant 48 : index
    %get3A_117 = tpu.vector_load %arg9[%get3A_116] {strides = array<i32>} : memref<64xi32, #tpu.memory_space<vmem>>, vector<16xi32>,
    %gather3A_118 = tpu.vector_load_idx %arg8[%get3A_117] : memref<64xf32, #tpu.memory_space<vmem>>[vector<16xi32>], vector<16xf32>,
    %get3A_119 = arith.constant 48 : index
    %get3A_120 = tpu.vector_load %arg7[%get3A_119] {strides = array<i32>} : memref<64xf32, #tpu.memory_space<vmem>>, vector<16xf32>,
    %max3A_121 = arith.maximumf %get3A_120, %gather3A_118 : vector<16xf32>
    %get3A_122 = arith.constant 48 : index
    %get3A_123 = tpu.vector_load %arg8[%get3A_122] {strides = array<i32>} : memref<64xf32, #tpu.memory_space<vmem>>, vector<16xf32>,
    %min3A_124 = arith.minimumf %max3A_97, %max3A_105 : vector<16xf32>
    %min3A_125 = arith.minimumf %max3A_113, %max3A_121 : vector<16xf32>
    %min3A_126 = arith.minimumf %min3A_124, %min3A_125 : vector<16xf32>
    %reduce_min3A_127 = arith.constant true
    %reduce_min3A_128 = vector.broadcast %reduce_min3A_127 : i1 to vector<16xi1>
    %reduce_min3A_129 = tpu.scan <min>, %min3A_126 masked %reduce_min3A_128 : vector<16xf32>, vector<16xi1> -> vector<16xf32>
    %reduce_min3A_130 = vector.extract %reduce_min3A_129[15] : f32 from vector<16xf32>
    %min3A_131 = arith.minimumf %get3A_99, %get3A_107 : vector<16xf32>
    %min3A_132 = arith.minimumf %get3A_115, %get3A_123 : vector<16xf32>
    %min3A_133 = arith.minimumf %min3A_131, %min3A_132 : vector<16xf32>
    %reduce_min3A_134 = arith.constant true
    %reduce_min3A_135 = vector.broadcast %reduce_min3A_134 : i1 to vector<16xi1>
    %reduce_min3A_136 = tpu.scan <min>, %min3A_133 masked %reduce_min3A_135 : vector<16xf32>, vector<16xi1> -> vector<16xf32>
    %reduce_min3A_137 = vector.extract %reduce_min3A_136[15] : f32 from vector<16xf32>
    %sub3A_138 = vector.broadcast %reduce_min3A_130 : f32 to vector<16xf32>
    %sub3A_139 = arith.subf %max3A_97, %sub3A_138 : vector<16xf32>
    %mul3A_140 = arith.constant 0.00999999977 : f32
    %mul3A_141 = vector.broadcast %mul3A_140 : f32 to vector<16xf32>
    %mul3A_142 = arith.mulf %sub3A_139, %mul3A_141 : vector<16xf32>
    %swap3A_143 = arith.constant 0 : index
    %swap3A_144 = tpu.vector_load %arg10[%swap3A_143] {strides = array<i32>} : memref<64xf32, #tpu.memory_space<vmem>>, vector<16xf32>,
    tpu.vector_store %arg10[%swap3A_143], %mul3A_142 {strides = array<i32>} : memref<64xf32, #tpu.memory_space<vmem>>, vector<16xf32>,
    %sub3A_145 = vector.broadcast %reduce_min3A_137 : f32 to vector<16xf32>
    %sub3A_146 = arith.subf %get3A_99, %sub3A_145 : vector<16xf32>
    %swap3A_147 = arith.constant 0 : index
    %swap3A_148 = tpu.vector_load %arg11[%swap3A_147] {strides = array<i32>} : memref<64xf32, #tpu.memory_space<vmem>>, vector<16xf32>,
    tpu.vector_store %arg11[%swap3A_147], %sub3A_146 {strides = array<i32>} : memref<64xf32, #tpu.memory_space<vmem>>, vector<16xf32>,
    %sub3A_149 = vector.broadcast %reduce_min3A_130 : f32 to vector<16xf32>
    %sub3A_150 = arith.subf %max3A_105, %sub3A_149 : vector<16xf32>
    %mul3A_151 = arith.constant 0.00999999977 : f32
    %mul3A_152 = vector.broadcast %mul3A_151 : f32 to vector<16xf32>
    %mul3A_153 = arith.mulf %sub3A_150, %mul3A_152 : vector<16xf32>
    %swap3A_154 = arith.constant 16 : index
    %swap3A_155 = tpu.vector_load %arg10[%swap3A_154] {strides = array<i32>} : memref<64xf32, #tpu.memory_space<vmem>>, vector<16xf32>,
    tpu.vector_store %arg10[%swap3A_154], %mul3A_153 {strides = array<i32>} : memref<64xf32, #tpu.memory_space<vmem>>, vector<16xf32>,
    %sub3A_156 = vector.broadcast %reduce_min3A_137 : f32 to vector<16xf32>
    %sub3A_157 = arith.subf %get3A_107, %sub3A_156 : vector<16xf32>
    %swap3A_158 = arith.constant 16 : index
    %swap3A_159 = tpu.vector_load %arg11[%swap3A_158] {strides = array<i32>} : memref<64xf32, #tpu.memory_space<vmem>>, vector<16xf32>,
    tpu.vector_store %arg11[%swap3A_158], %sub3A_157 {strides = array<i32>} : memref<64xf32, #tpu.memory_space<vmem>>, vector<16xf32>,
    %sub3A_160 = vector.broadcast %reduce_min3A_130 : f32 to vector<16xf32>
    %sub3A_161 = arith.subf %max3A_113, %sub3A_160 : vector<16xf32>
    %mul3A_162 = arith.constant 0.00999999977 : f32
    %mul3A_163 = vector.broadcast %mul3A_162 : f32 to vector<16xf32>
    %mul3A_164 = arith.mulf %sub3A_161, %mul3A_163 : vector<16xf32>
    %swap3A_165 = arith.constant 32 : index
    %swap3A_166 = tpu.vector_load %arg10[%swap3A_165] {strides = array<i32>} : memref<64xf32, #tpu.memory_space<vmem>>, vector<16xf32>,
    tpu.vector_store %arg10[%swap3A_165], %mul3A_164 {strides = array<i32>} : memref<64xf32, #tpu.memory_space<vmem>>, vector<16xf32>,
    %sub3A_167 = vector.broadcast %reduce_min3A_137 : f32 to vector<16xf32>
    %sub3A_168 = arith.subf %get3A_115, %sub3A_167 : vector<16xf32>
    %swap3A_169 = arith.constant 32 : index
    %swap3A_170 = tpu.vector_load %arg11[%swap3A_169] {strides = array<i32>} : memref<64xf32, #tpu.memory_space<vmem>>, vector<16xf32>,
    tpu.vector_store %arg11[%swap3A_169], %sub3A_168 {strides = array<i32>} : memref<64xf32, #tpu.memory_space<vmem>>, vector<16xf32>,
    %sub3A_171 = vector.broadcast %reduce_min3A_130 : f32 to vector<16xf32>
    %sub3A_172 = arith.subf %max3A_121, %sub3A_171 : vector<16xf32>
    %mul3A_173 = arith.constant 0.00999999977 : f32
    %mul3A_174 = vector.broadcast %mul3A_173 : f32 to vector<16xf32>
    %mul3A_175 = arith.mulf %sub3A_172, %mul3A_174 : vector<16xf32>
    %swap3A_176 = arith.constant 48 : index
    %swap3A_177 = tpu.vector_load %arg10[%swap3A_176] {strides = array<i32>} : memref<64xf32, #tpu.memory_space<vmem>>, vector<16xf32>,
    tpu.vector_store %arg10[%swap3A_176], %mul3A_175 {strides = array<i32>} : memref<64xf32, #tpu.memory_space<vmem>>, vector<16xf32>,
    %sub3A_178 = vector.broadcast %reduce_min3A_137 : f32 to vector<16xf32>
    %sub3A_179 = arith.subf %get3A_123, %sub3A_178 : vector<16xf32>
    %swap3A_180 = arith.constant 48 : index
    %swap3A_181 = tpu.vector_load %arg11[%swap3A_180] {strides = array<i32>} : memref<64xf32, #tpu.memory_space<vmem>>, vector<16xf32>,
    tpu.vector_store %arg11[%swap3A_180], %sub3A_179 {strides = array<i32>} : memref<64xf32, #tpu.memory_space<vmem>>, vector<16xf32>,
    "tpu.region"() ({
      %run_scoped3A = tpu.sem_alloc : memref<!tpu.dma_semaphore, #tpu.memory_space<semaphore_mem>>
      %dma_start3A = arith.constant 0 : i32
      %dma_start3A_182 = tpu.memref_slice %arg5[%add3A_91, %dma_start3A] : memref<64x64xf32, #tpu.memory_space<hbm>> -> memref<1x64xf32, #tpu.memory_space<hbm>>
      %dma_start3A_183 = tpu.memref_squeeze %dma_start3A_182 : memref<1x64xf32, #tpu.memory_space<hbm>> -> memref<64xf32, #tpu.memory_space<hbm>>
      %dma_start3A_184 = arith.constant 0 : i32
      %dma_start3A_185 = tpu.memref_slice %arg5[%add3A_91, %dma_start3A_184] : memref<64x64xf32, #tpu.memory_space<hbm>> -> memref<1x64xf32, #tpu.memory_space<hbm>>
      %dma_start3A_186 = tpu.memref_squeeze %dma_start3A_185 : memref<1x64xf32, #tpu.memory_space<hbm>> -> memref<64xf32, #tpu.memory_space<hbm>>
      tpu.enqueue_dma source(%arg10 : memref<64xf32, #tpu.memory_space<vmem>>) target(%dma_start3A_186 : memref<64xf32, #tpu.memory_space<hbm>>) target_semaphore(%run_scoped3A : memref<!tpu.dma_semaphore, #tpu.memory_space<semaphore_mem>>)
      %dma_wait3A = arith.constant 0 : i32
      %dma_wait3A_187 = tpu.memref_slice %arg5[%add3A_91, %dma_wait3A] : memref<64x64xf32, #tpu.memory_space<hbm>> -> memref<1x64xf32, #tpu.memory_space<hbm>>
      %dma_wait3A_188 = tpu.memref_squeeze %dma_wait3A_187 : memref<1x64xf32, #tpu.memory_space<hbm>> -> memref<64xf32, #tpu.memory_space<hbm>>
      %dma_wait3A_189 = arith.constant 0 : i32
      %dma_wait3A_190 = tpu.memref_slice %arg5[%add3A_91, %dma_wait3A_189] : memref<64x64xf32, #tpu.memory_space<hbm>> -> memref<1x64xf32, #tpu.memory_space<hbm>>
      %dma_wait3A_191 = tpu.memref_squeeze %dma_wait3A_190 : memref<1x64xf32, #tpu.memory_space<hbm>> -> memref<64xf32, #tpu.memory_space<hbm>>
      tpu.wait_dma2 semaphore(%run_scoped3A : memref<!tpu.dma_semaphore, #tpu.memory_space<semaphore_mem>>) src(%arg10 : memref<64xf32, #tpu.memory_space<vmem>>) dst(%dma_wait3A_191 : memref<64xf32, #tpu.memory_space<hbm>>)
      tpu.yield
    }) : () -> ()
    "tpu.region"() ({
      %run_scoped3A = tpu.sem_alloc : memref<!tpu.dma_semaphore, #tpu.memory_space<semaphore_mem>>
      %dma_start3A = arith.constant 0 : i32
      %dma_start3A_182 = tpu.memref_slice %arg6[%add3A_91, %dma_start3A] : memref<64x64xf32, #tpu.memory_space<hbm>> -> memref<1x64xf32, #tpu.memory_space<hbm>>
      %dma_start3A_183 = tpu.memref_squeeze %dma_start3A_182 : memref<1x64xf32, #tpu.memory_space<hbm>> -> memref<64xf32, #tpu.memory_space<hbm>>
      %dma_start3A_184 = arith.constant 0 : i32
      %dma_start3A_185 = tpu.memref_slice %arg6[%add3A_91, %dma_start3A_184] : memref<64x64xf32, #tpu.memory_space<hbm>> -> memref<1x64xf32, #tpu.memory_space<hbm>>
      %dma_start3A_186 = tpu.memref_squeeze %dma_start3A_185 : memref<1x64xf32, #tpu.memory_space<hbm>> -> memref<64xf32, #tpu.memory_space<hbm>>
      tpu.enqueue_dma source(%arg11 : memref<64xf32, #tpu.memory_space<vmem>>) target(%dma_start3A_186 : memref<64xf32, #tpu.memory_space<hbm>>) target_semaphore(%run_scoped3A : memref<!tpu.dma_semaphore, #tpu.memory_space<semaphore_mem>>)
      %dma_wait3A = arith.constant 0 : i32
      %dma_wait3A_187 = tpu.memref_slice %arg6[%add3A_91, %dma_wait3A] : memref<64x64xf32, #tpu.memory_space<hbm>> -> memref<1x64xf32, #tpu.memory_space<hbm>>
      %dma_wait3A_188 = tpu.memref_squeeze %dma_wait3A_187 : memref<1x64xf32, #tpu.memory_space<hbm>> -> memref<64xf32, #tpu.memory_space<hbm>>
      %dma_wait3A_189 = arith.constant 0 : i32
      %dma_wait3A_190 = tpu.memref_slice %arg6[%add3A_91, %dma_wait3A_189] : memref<64x64xf32, #tpu.memory_space<hbm>> -> memref<1x64xf32, #tpu.memory_space<hbm>>
      %dma_wait3A_191 = tpu.memref_squeeze %dma_wait3A_190 : memref<1x64xf32, #tpu.memory_space<hbm>> -> memref<64xf32, #tpu.memory_space<hbm>>
      tpu.wait_dma2 semaphore(%run_scoped3A : memref<!tpu.dma_semaphore, #tpu.memory_space<semaphore_mem>>) src(%arg11 : memref<64xf32, #tpu.memory_space<vmem>>) dst(%dma_wait3A_191 : memref<64xf32, #tpu.memory_space<hbm>>)
      tpu.yield
    }) : () -> ()
    return
  }
}

module attributes {stable_mosaic.version = 14 : i64} {
  func.func @_tc_body(%arg0: i32, %arg1: memref<4x50x50xf32, #tpu.memory_space<vmem>>, %arg2: memref<4x50x1xf32, #tpu.memory_space<vmem>>, %arg3: memref<4x50x1xi32, #tpu.memory_space<vmem>>, %arg4: memref<4x50x1xf32, #tpu.memory_space<vmem>>, %arg5: memref<4x50x1xf32, #tpu.memory_space<vmem>>, %arg6: memref<2x128xf32, #tpu.memory_space<vmem>>, %arg7: memref<1x128xf32, #tpu.memory_space<vmem>>, %arg8: memref<4x50x50x128xf32, #tpu.memory_space<vmem>>, %arg9: memref<4x50x128xf32, #tpu.memory_space<vmem>>) attributes {dimension_semantics = [#tpu.dimension_semantics<arbitrary>], iteration_bounds = array<i64: 16>, scalar_prefetch = 0 : i64, scratch_operands = 0 : i64, tpu.core_type = #tpu.core_type<tc>, window_params = [{transform_indices = @transform_0, window_bounds = array<i64: 4, 50, 50>}, {transform_indices = @transform_1, window_bounds = array<i64: 4, 50, 1>}, {transform_indices = @transform_2, window_bounds = array<i64: 4, 50, 1>}, {transform_indices = @transform_3, window_bounds = array<i64: 4, 50, 1>}, {transform_indices = @transform_4, window_bounds = array<i64: 4, 50, 1>}, {pipeline_mode = #tpu.pipeline_mode<synchronous>, transform_indices = @transform_5, window_bounds = array<i64: 2, 128>}, {pipeline_mode = #tpu.pipeline_mode<synchronous>, transform_indices = @transform_6, window_bounds = array<i64: 1, 128>}, {transform_indices = @transform_7, window_bounds = array<i64: 4, 50, 50, 128>}, {transform_indices = @transform_8, window_bounds = array<i64: 4, 50, 128>}]} {
    %iota3A = tpu.iota {dimensions = array<i32: 1>} : vector<1x128xi32>
    %convert_element_type3A = arith.sitofp %iota3A : vector<1x128xi32> to vector<1x128xf32>
    %lt3A = arith.constant 6.400000e+01 : f32
    %lt3A_0 = vector.broadcast %lt3A : f32 to vector<1x128xf32>
    %lt3A_1 = arith.cmpf olt, %convert_element_type3A, %lt3A_0 : vector<1x128xf32>
    %sub3A = arith.constant 6.400000e+01 : f32
    %sub3A_2 = vector.broadcast %sub3A : f32 to vector<1x128xf32>
    %sub3A_3 = arith.subf %convert_element_type3A, %sub3A_2 : vector<1x128xf32>
    %select_n3A = arith.select %lt3A_1, %convert_element_type3A, %sub3A_3 : vector<1x128xi1>, vector<1x128xf32>
    %log3A = arith.constant 1.000000e+04 : f32
    %log3A_4 = math.log %log3A : f32
    %neg3A = arith.constant 0.000000e+00 : f32
    %neg3A_5 = arith.subf %neg3A, %log3A_4 : f32
    %div3A = arith.constant 6.400000e+01 : f32
    %div3A_6 = arith.divf %neg3A_5, %div3A : f32
    %mul3A = vector.broadcast %div3A_6 : f32 to vector<1x128xf32>
    %mul3A_7 = arith.mulf %select_n3A, %mul3A : vector<1x128xf32>
    %exp3A = math.exp %mul3A_7 : vector<1x128xf32>
    %lt3A_8 = arith.constant 6.400000e+01 : f32
    %lt3A_9 = vector.broadcast %lt3A_8 : f32 to vector<1x128xf32>
    %lt3A_10 = arith.cmpf olt, %convert_element_type3A, %lt3A_9 : vector<1x128xf32>
    %jit3A = arith.constant 0.000000e+00 : f32
    %jit3A_11 = arith.constant 1.57079637 : f32
    %broadcast_in_dim3A = vector.broadcast %jit3A : f32 to vector<1x128xf32>
    %broadcast_in_dim3A_12 = vector.broadcast %jit3A_11 : f32 to vector<1x128xf32>
    %select_n3A_13 = arith.select %lt3A_10, %broadcast_in_dim3A, %broadcast_in_dim3A_12 : vector<1x128xi1>, vector<1x128xf32>
    %iota3A_14 = tpu.iota {dimensions = array<i32: 0>} : vector<50x1xi32>
    %convert_element_type3A_15 = arith.sitofp %iota3A_14 : vector<50x1xi32> to vector<50x1xf32>
    %mul3A_16 = vector.broadcast %convert_element_type3A_15 : vector<50x1xf32> to vector<50x128xf32>
    %mul3A_17 = vector.broadcast %exp3A : vector<1x128xf32> to vector<50x128xf32>
    %mul3A_18 = arith.mulf %mul3A_16, %mul3A_17 : vector<50x128xf32>
    %sin3A = math.sin %mul3A_18 : vector<50x128xf32>
    %broadcast_in_dim3A_19 = vector.shape_cast %sin3A : vector<50x128xf32> to vector<1x1x50x128xf32>
    %cos3A = math.cos %mul3A_18 : vector<50x128xf32>
    %broadcast_in_dim3A_20 = vector.shape_cast %cos3A : vector<50x128xf32> to vector<1x1x50x128xf32>
    %get3A = arith.constant 0 : index
    %get3A_21 = arith.constant 0 : index
    %get3A_22 = arith.constant 0 : index
    %get3A_23 = vector.load %arg2[%get3A, %get3A_21, %get3A_22] : memref<4x50x1xf32, #tpu.memory_space<vmem>>, vector<4x50x1xf32>
    %broadcast_in_dim3A_24 = vector.shape_cast %exp3A : vector<1x128xf32> to vector<1x1x128xf32>
    %mul3A_25 = vector.broadcast %get3A_23 : vector<4x50x1xf32> to vector<4x50x128xf32>
    %mul3A_26 = vector.broadcast %broadcast_in_dim3A_24 : vector<1x1x128xf32> to vector<4x50x128xf32>
    %mul3A_27 = arith.mulf %mul3A_25, %mul3A_26 : vector<4x50x128xf32>
    %broadcast_in_dim3A_28 = vector.shape_cast %select_n3A_13 : vector<1x128xf32> to vector<1x1x128xf32>
    %add3A = vector.broadcast %broadcast_in_dim3A_28 : vector<1x1x128xf32> to vector<4x50x128xf32>
    %add3A_29 = arith.addf %mul3A_27, %add3A : vector<4x50x128xf32>
    %sin3A_30 = math.sin %add3A_29 : vector<4x50x128xf32>
    %broadcast_in_dim3A_31 = vector.shape_cast %sin3A_30 : vector<4x50x128xf32> to vector<4x50x1x128xf32>
    %cos3A_32 = math.cos %add3A_29 : vector<4x50x128xf32>
    %broadcast_in_dim3A_33 = vector.shape_cast %cos3A_32 : vector<4x50x128xf32> to vector<4x50x1x128xf32>
    %mul3A_34 = vector.broadcast %broadcast_in_dim3A_19 : vector<1x1x50x128xf32> to vector<4x50x50x128xf32>
    %mul3A_35 = vector.broadcast %broadcast_in_dim3A_33 : vector<4x50x1x128xf32> to vector<4x50x50x128xf32>
    %mul3A_36 = arith.mulf %mul3A_34, %mul3A_35 : vector<4x50x50x128xf32>
    %mul3A_37 = vector.broadcast %broadcast_in_dim3A_20 : vector<1x1x50x128xf32> to vector<4x50x50x128xf32>
    %mul3A_38 = vector.broadcast %broadcast_in_dim3A_31 : vector<4x50x1x128xf32> to vector<4x50x50x128xf32>
    %mul3A_39 = arith.mulf %mul3A_37, %mul3A_38 : vector<4x50x50x128xf32>
    %add3A_40 = arith.addf %mul3A_36, %mul3A_39 : vector<4x50x50x128xf32>
    %get3A_41 = arith.constant 0 : index
    %get3A_42 = arith.constant 0 : index
    %get3A_43 = arith.constant 0 : index
    %get3A_44 = vector.load %arg1[%get3A_41, %get3A_42, %get3A_43] : memref<4x50x50xf32, #tpu.memory_space<vmem>>, vector<4x50x50xf32>
    %mul3A_45 = arith.constant 0.00999999977 : f32
    %mul3A_46 = vector.broadcast %mul3A_45 : f32 to vector<4x50x50xf32>
    %mul3A_47 = arith.mulf %get3A_44, %mul3A_46 : vector<4x50x50xf32>
    %get3A_48 = arith.constant 0 : index
    %get3A_49 = arith.constant 0 : index
    %get3A_50 = vector.load %arg6[%get3A_48, %get3A_49] : memref<2x128xf32, #tpu.memory_space<vmem>>, vector<1x128xf32>
    %broadcast_in_dim3A_51 = vector.shape_cast %get3A_50 : vector<1x128xf32> to vector<1x1x1x128xf32>
    %get3A_52 = arith.constant 1 : index
    %get3A_53 = arith.constant 0 : index
    %get3A_54 = vector.load %arg6[%get3A_52, %get3A_53] : memref<2x128xf32, #tpu.memory_space<vmem>>, vector<1x128xf32>
    %get3A_55 = arith.constant 0 : index
    %get3A_56 = arith.constant 0 : index
    %get3A_57 = arith.constant 0 : index
    %get3A_58 = vector.load %arg4[%get3A_55, %get3A_56, %get3A_57] : memref<4x50x1xf32, #tpu.memory_space<vmem>>, vector<4x50x1xf32>
    %broadcast_in_dim3A_59 = vector.shape_cast %get3A_54 : vector<1x128xf32> to vector<1x1x128xf32>
    %mul3A_60 = vector.broadcast %get3A_58 : vector<4x50x1xf32> to vector<4x50x128xf32>
    %mul3A_61 = vector.broadcast %broadcast_in_dim3A_59 : vector<1x1x128xf32> to vector<4x50x128xf32>
    %mul3A_62 = arith.mulf %mul3A_60, %mul3A_61 : vector<4x50x128xf32>
    %iota3A_63 = tpu.iota {dimensions = array<i32: 2>} : vector<4x50x50x128xi32>
    %get3A_64 = arith.constant 0 : index
    %get3A_65 = arith.constant 0 : index
    %get3A_66 = arith.constant 0 : index
    %get3A_67 = vector.load %arg3[%get3A_64, %get3A_65, %get3A_66] : memref<4x50x1xi32, #tpu.memory_space<vmem>>, vector<4x50x1xi32>
    %broadcast_in_dim3A_68 = vector.shape_cast %get3A_67 : vector<4x50x1xi32> to vector<4x50x1x1xi32>
    %eq3A = vector.broadcast %broadcast_in_dim3A_68 : vector<4x50x1x1xi32> to vector<4x50x50x128xi32>
    %eq3A_69 = arith.cmpi eq, %iota3A_63, %eq3A : vector<4x50x50x128xi32>
    %broadcast_in_dim3A_70 = vector.shape_cast %mul3A_62 : vector<4x50x128xf32> to vector<4x50x1x128xf32>
    %jit3A_71 = arith.constant 0.000000e+00 : f32
    %broadcast_in_dim3A_72 = vector.shape_cast %broadcast_in_dim3A_70 : vector<4x50x1x128xf32> to vector<4x50x1x128xf32>
    %broadcast_in_dim3A_73 = vector.broadcast %broadcast_in_dim3A_72 : vector<4x50x1x128xf32> to vector<4x50x50x128xf32>
    %broadcast_in_dim3A_74 = vector.broadcast %jit3A_71 : f32 to vector<4x50x50x128xf32>
    %select_n3A_75 = arith.select %eq3A_69, %broadcast_in_dim3A_73, %broadcast_in_dim3A_74 : vector<4x50x50x128xi1>, vector<4x50x50x128xf32>
    %broadcast_in_dim3A_76 = vector.shape_cast %mul3A_47 : vector<4x50x50xf32> to vector<4x50x50x1xf32>
    %mul3A_77 = vector.broadcast %broadcast_in_dim3A_76 : vector<4x50x50x1xf32> to vector<4x50x50x128xf32>
    %mul3A_78 = vector.broadcast %broadcast_in_dim3A_51 : vector<1x1x1x128xf32> to vector<4x50x50x128xf32>
    %mul3A_79 = arith.mulf %mul3A_77, %mul3A_78 : vector<4x50x50x128xf32>
    %add3A_80 = arith.addf %mul3A_79, %add3A_40 : vector<4x50x50x128xf32>
    %add3A_81 = arith.addf %add3A_80, %select_n3A_75 : vector<4x50x50x128xf32>
    %swap3A = arith.constant 0 : index
    %swap3A_82 = arith.constant 0 : index
    %swap3A_83 = arith.constant 0 : index
    %swap3A_84 = arith.constant 0 : index
    %swap3A_85 = vector.load %arg8[%swap3A, %swap3A_82, %swap3A_83, %swap3A_84] : memref<4x50x50x128xf32, #tpu.memory_space<vmem>>, vector<4x50x50x128xf32>
    tpu.vector_store %arg8[%swap3A, %swap3A_82, %swap3A_83, %swap3A_84], %add3A_81 {strides = array<i32>} : memref<4x50x50x128xf32, #tpu.memory_space<vmem>>, vector<4x50x50x128xf32>,
    %get3A_86 = arith.constant 0 : index
    %get3A_87 = arith.constant 0 : index
    %get3A_88 = arith.constant 0 : index
    %get3A_89 = vector.load %arg5[%get3A_86, %get3A_87, %get3A_88] : memref<4x50x1xf32, #tpu.memory_space<vmem>>, vector<4x50x1xf32>
    %get3A_90 = arith.constant 0 : index
    %get3A_91 = arith.constant 0 : index
    %get3A_92 = vector.load %arg7[%get3A_90, %get3A_91] : memref<1x128xf32, #tpu.memory_space<vmem>>, vector<1x128xf32>
    %broadcast_in_dim3A_93 = vector.shape_cast %get3A_92 : vector<1x128xf32> to vector<1x1x128xf32>
    %mul3A_94 = vector.broadcast %get3A_89 : vector<4x50x1xf32> to vector<4x50x128xf32>
    %mul3A_95 = vector.broadcast %broadcast_in_dim3A_93 : vector<1x1x128xf32> to vector<4x50x128xf32>
    %mul3A_96 = arith.mulf %mul3A_94, %mul3A_95 : vector<4x50x128xf32>
    %swap3A_97 = arith.constant 0 : index
    %swap3A_98 = arith.constant 0 : index
    %swap3A_99 = arith.constant 0 : index
    %swap3A_100 = vector.load %arg9[%swap3A_97, %swap3A_98, %swap3A_99] : memref<4x50x128xf32, #tpu.memory_space<vmem>>, vector<4x50x128xf32>
    tpu.vector_store %arg9[%swap3A_97, %swap3A_98, %swap3A_99], %mul3A_96 {strides = array<i32>} : memref<4x50x128xf32, #tpu.memory_space<vmem>>, vector<4x50x128xf32>,
    return
  }
  func.func @transform_0(%arg0: i32) -> (i32, i32, i32) {
    %c0_i32 = arith.constant 0 : i32
    %c0_i32_0 = arith.constant 0 : i32
    %c0_i32_1 = arith.constant 0 : i32
    return %arg0, %c0_i32, %c0_i32_0 : i32, i32, i32
  }
  func.func @transform_1(%arg0: i32) -> (i32, i32, i32) {
    %c0_i32 = arith.constant 0 : i32
    %c0_i32_0 = arith.constant 0 : i32
    %c0_i32_1 = arith.constant 0 : i32
    return %arg0, %c0_i32, %c0_i32_0 : i32, i32, i32
  }
  func.func @transform_2(%arg0: i32) -> (i32, i32, i32) {
    %c0_i32 = arith.constant 0 : i32
    %c0_i32_0 = arith.constant 0 : i32
    %c0_i32_1 = arith.constant 0 : i32
    return %arg0, %c0_i32, %c0_i32_0 : i32, i32, i32
  }
  func.func @transform_3(%arg0: i32) -> (i32, i32, i32) {
    %c0_i32 = arith.constant 0 : i32
    %c0_i32_0 = arith.constant 0 : i32
    %c0_i32_1 = arith.constant 0 : i32
    return %arg0, %c0_i32, %c0_i32_0 : i32, i32, i32
  }
  func.func @transform_4(%arg0: i32) -> (i32, i32, i32) {
    %c0_i32 = arith.constant 0 : i32
    %c0_i32_0 = arith.constant 0 : i32
    %c0_i32_1 = arith.constant 0 : i32
    return %arg0, %c0_i32, %c0_i32_0 : i32, i32, i32
  }
  func.func @transform_5(%arg0: i32) -> (i32, i32) {
    %c0_i32 = arith.constant 0 : i32
    %c0_i32_0 = arith.constant 0 : i32
    %c0_i32_1 = arith.constant 0 : i32
    return %c0_i32, %c0_i32_0 : i32, i32
  }
  func.func @transform_6(%arg0: i32) -> (i32, i32) {
    %c0_i32 = arith.constant 0 : i32
    %c0_i32_0 = arith.constant 0 : i32
    %c0_i32_1 = arith.constant 0 : i32
    return %c0_i32, %c0_i32_0 : i32, i32
  }
  func.func @transform_7(%arg0: i32) -> (i32, i32, i32, i32) {
    %c0_i32 = arith.constant 0 : i32
    %c0_i32_0 = arith.constant 0 : i32
    %c0_i32_1 = arith.constant 0 : i32
    %c0_i32_2 = arith.constant 0 : i32
    return %arg0, %c0_i32, %c0_i32_0, %c0_i32_1 : i32, i32, i32, i32
  }
  func.func @transform_8(%arg0: i32) -> (i32, i32, i32) {
    %c0_i32 = arith.constant 0 : i32
    %c0_i32_0 = arith.constant 0 : i32
    %c0_i32_1 = arith.constant 0 : i32
    return %arg0, %c0_i32, %c0_i32_0 : i32, i32, i32
  }
}

</mosaic_0001>

<sc_bundles>
// kernel: kernel.4.cloned.1.call-start
scs
__scs_entry_jumppad:
0x0: {  	(pc) =	sbr.rel $0x88, $3  }
0x1: {  	(tag) =	ssettag $0x0;
	lr =	simm.s32 $0x1  }
0x2: {  	[smem:$0x3F9A] =	sst lr;
	_ =	strace $0xD0000000  }
0x3: {  	_ = 	snop  }
0x4: {  	_ = 	snop  }
0x5: {  	_ = 	snop  }
0x6: {  	_ = 	snop  }
0x7: {  	_ = 	snop  }
__scs_overlays_trampoline_lowered:
0x8: {  	[smem:$0x3FA9] =	sst s0  }
0x9: {  	[smem:$0x3FAA] =	sst s1  }
0xa: {  	[smem:$0x3FAB] =	sst s2  }
0xb: {  	[smem:$0x3FAC] =	sst s3  }
0xc: {  	[smem:$0x3FAD] =	sst s4  }
0xd: {  	[smem:$0x3FAE] =	sst s5  }
0xe: {  	[smem:$0x3FAF] =	sst s6  }
0xf: {  	[smem:$0x3FB0] =	sst s7  }
0x10: {  	[smem:$0x3FB1] =	sst s8  }
0x11: {  	[smem:$0x3FB2] =	sst s9;
	s0 =	simm.s32 @!p0 $0x0  }
0x12: {  	s1 =	sld [smem:$0x3F98];
	s0 =	simm.s32 @p0 $0x1  }
0x13: {  	[smem:$0x3FB3] =	sst s0;
	s0 =	simm.s32 @!p1 $0x0  }
0x14: {  	s2 =	sld [smem:$0x3F97];
	s0 =	simm.s32 @p1 $0x1  }
0x15: {  	[smem:$0x3FB4] =	sst s0;
	s0 =	simm.s32 @!p2 $0x0  }
0x16: {  	s3 =	sld [smem:$0x3FDB];
	s0 =	simm.s32 @p2 $0x1  }
0x17: {  	s4 =	simm.s32 $0x1BF5;
	[smem:$0x3FB6] =	sst s0  }
0x18: {  	s0 =	sld [smem:$0x3F99];
	_ =	swait.ge [sflag:s4], $0x0  }
0x19: {  	s7 =	sld [smem:$0x3F9A]  }
0x1a: {  	s8 =	sadd.s32 $0xFFFFE003, lr  }
0x1b: {  	s9 =	sadd.s32 $0xFFFFFEF7, lr;
	s5 =	simm.s32 $0xFFFFFFFF;
	p2 =	slt.u32 s8, $0xFFFFF086  }
0x1c: {  	p1 =	slt.u32 s9, $0xF7A;
	s5 =	simm.s32 @!p2 $0x0  }
0x1d: {  	s5 =	simm.s32 @p1 $0x1;
	p0 =	seq.s32 s7, s2  }
0x1e: {  	s7 =	smul.u32 @!p0 $0xF7A, s2;
	p2 =	seq.s32 @!p0 s5, $0x0  }
0x1f: {  	s9 =	smul.u32 $0xF7A, s1;
	s8 =	simm.s32 @!p0 $0x1BF5;
	p2 =	por !p2, p0  }
0x20: {  	[sflag:s8] =	ssyncset.s32 @!p0 $0xFFFFF086;
	s6 =	sadd.s32 @!p0 s3, s7;
	s7 =	simm.s32 @!p0 $0x108  }
0x21: {  	s3 =	sadd.s32 s3, s9;
	s6 =	sadd.s32 @!p0 $0x88, s6;
	s7 =	simm.s32 @p2 $0x1082  }
0x22: {  	[simem:s7], [sflag:s8] =	dma.local @!p0 [hbm:s6], $0xF7A  }
0x23: {  	s9 =	sor.u32 $0xD0000000, s2;
	s6 =	simm.s32 $0x108;
	_ =	swait.ge @!p0 [sflag:s8], $0x0  }
0x24: {  	s3 =	sadd.s32 $0x88, s3;
	s6 =	simm.s32 @!p1 $0x1082;
	[sflag:s4] =	ssyncset.s32 $0xFFFFF086  }
0x25: {  	[simem:s6], [sflag:s4] =	dma.local [hbm:s3], $0xF7A  }
0x26: {  	[smem:$0x3F9A] =	sst s1;
	(tag) =	ssettag s2;
	_ =	strace s9  }
0x27: {  	s1 =	sld [smem:$0x3FAA]  }
0x28: {  	s2 =	sld [smem:$0x3FAB]  }
0x29: {  	s4 =	sld [smem:$0x3FAD]  }
0x2a: {  	p0 =	seq.s32 s5, $0x0;
	s5 =	sld [smem:$0x3FAE]  }
0x2b: {  	s6 =	sld [smem:$0x3FAF]  }
0x2c: {  	s7 =	sld [smem:$0x3FB0]  }
0x2d: {  	s3 =	simm.s32 $0x108;
	s8 =	sld [smem:$0x3FB1]  }
0x2e: {  	s3 =	simm.s32 @!p0 $0x1082;
	s9 =	sld [smem:$0x3FB2]  }
0x2f: {  	lr =	sadd.s32 s0, s3;
	s0 =	sld [smem:$0x3FA9]  }
0x30: {  	s3 =	sld [smem:$0x3FAC]  }
0x31: {  	[smem:$0x3FB5] =	sst s10  }
0x32: {  	s10 =	sld [smem:$0x3FB3];
	_ =	sdelay $0x3  }
0x33: {  	p0 =	seq.s32 s10, $0x1;
	s10 =	sld [smem:$0x3FB5];
	_ =	sdelay $0x3  }
0x34: {  	[smem:$0x3FB5] =	sst s10  }
0x35: {  	s10 =	sld [smem:$0x3FB4];
	_ =	sdelay $0x3  }
0x36: {  	p1 =	seq.s32 s10, $0x1;
	s10 =	sld [smem:$0x3FB5];
	_ =	sdelay $0x3  }
0x37: {  	[smem:$0x3FB5] =	sst s10  }
0x38: {  	s10 =	sld [smem:$0x3FB6]  }
0x39: {  	_ = 	snop;
	(pc) =	sbr.ind lr, $3  }
0x3a: {  	_ = 	snop  }
0x3b: {  	_ = 	snop  }
0x3c: {  	p2 =	seq.s32 s10, $0x1;
	s10 =	sld [smem:$0x3FB5]  }
0x3d: {  	_ =	shalt  }
0x3e: {  	_ =	shalt  }
0x3f: {  	_ =	shalt  }
0x40: {  	_ =	shalt  }
0x41: {  	_ =	shalt  }
0x42: {  	_ =	shalt  }
0x43: {  	_ =	shalt  }
0x44: {  	_ =	shalt  }
0x45: {  	_ =	shalt  }
0x46: {  	_ =	shalt  }
0x47: {  	_ =	shalt  }
0x48: {  	_ =	shalt  }
0x49: {  	_ =	shalt  }
0x4a: {  	_ =	shalt  }
0x4b: {  	_ =	shalt  }
0x4c: {  	_ =	shalt  }
0x4d: {  	_ =	shalt  }
0x4e: {  	_ =	shalt  }
0x4f: {  	_ =	shalt  }
0x50: {  	_ =	shalt  }
0x51: {  	_ =	shalt  }
0x52: {  	_ =	shalt  }
0x53: {  	_ =	shalt  }
0x54: {  	_ =	shalt  }
0x55: {  	_ =	shalt  }
0x56: {  	_ =	shalt  }
0x57: {  	_ =	shalt  }
0x58: {  	_ =	shalt  }
0x59: {  	_ =	shalt  }
0x5a: {  	_ =	shalt  }
0x5b: {  	_ =	shalt  }
0x5c: {  	_ =	shalt  }
0x5d: {  	_ =	shalt  }
0x5e: {  	_ =	shalt  }
0x5f: {  	_ =	shalt  }
0x60: {  	_ =	shalt  }
0x61: {  	_ =	shalt  }
0x62: {  	_ =	shalt  }
0x63: {  	_ =	shalt  }
0x64: {  	_ =	shalt  }
0x65: {  	_ =	shalt  }
0x66: {  	_ =	shalt  }
0x67: {  	_ =	shalt  }
0x68: {  	_ =	shalt  }
0x69: {  	_ =	shalt  }
0x6a: {  	_ =	shalt  }
0x6b: {  	_ =	shalt  }
0x6c: {  	_ =	shalt  }
0x6d: {  	_ =	shalt  }
0x6e: {  	_ =	shalt  }
0x6f: {  	_ =	shalt  }
0x70: {  	_ =	shalt  }
0x71: {  	_ =	shalt  }
0x72: {  	_ =	shalt  }
0x73: {  	_ =	shalt  }
0x74: {  	_ =	shalt  }
0x75: {  	_ =	shalt  }
0x76: {  	_ =	shalt  }
0x77: {  	_ =	shalt  }
0x78: {  	_ =	shalt  }
0x79: {  	_ =	shalt  }
0x7a: {  	_ =	shalt  }
0x7b: {  	_ =	shalt  }
0x7c: {  	_ =	shalt  }
0x7d: {  	_ =	shalt  }
0x7e: {  	_ =	shalt  }
0x7f: {  	_ =	shalt  }
0x80: {  	_ =	shalt  }
0x81: {  	_ =	shalt  }
0x82: {  	_ =	shalt  }
0x83: {  	_ =	shalt  }
0x84: {  	_ =	shalt  }
0x85: {  	_ =	shalt  }
0x86: {  	_ =	shalt  }
0x87: {  	_ =	shalt  }
.Lfunc_end0:
.L_simem_size_0:
called_computation_lowered:
.L_overlay_start_0:
0x88: {  	s2 =	sld [smem:$0x3FD9]  }
0x89: {  	s3 =	sld [smem:$0x3FFE];
	_ =	sdelay $0x1  }
0x8a: {  	s1 =	srdreg.scid  }
0x8b: {  	s0 =	sand.u32 $0x1, s1  }
0x8c: {  	s14 =	sshll.u32 s0, $0xA;
	s2 =	sadd.s32 s3, s2  }
0x8d: {  	s2 =	sadd.s32 s2, s14  }
0x8e: {  	[smem:$0x3FC1] =	sst s2  }
0x8f: {  	_ = 	snop  }
0x90: {  	s2 =	sld [smem:$0x3FD0];
	_ =	sdelay $0x2  }
0x91: {  	s15 =	simm.s32 $0xA;
	s4 =	simm.s32 $0x10  }
0x92: {  	[smem:s4], [sflag:s15] =	dma.local [hbm:s2], $0x1  }
0x93: {  	_ =	swait.eq [sflag:s15], $0x1  }
0x94: {  	[sflag:s15] =	ssyncset.done $0x0  }
0x95: {  	s16 =	sld [smem:$0x10];
	[sflag:s15] =	ssyncadd.s32 $0xFFFFFFFF  }
0x96: {  	s17 =	sld [smem:$0x11];
	(tm) =	ssettm $0x1  }
0x97: {  	s18 =	sld [smem:$0x3FFB];
	_ =	sdelay $0x3  }
0x98: {  	_ =	strace s18  }
0x99: {  	s4 =	sld [smem:$0x3FFC];
	_ =	sdelay $0x3  }
0x9a: {  	_ =	strace s4  }
0x9b: {  	s4 =	sld [smem:$0x3FFD];
	_ =	sdelay $0x3  }
0x9c: {  	_ =	strace s4  }
0x9d: {  	_ =	strace $0x8FFFFFFF  }
0x9e: {  	s19 =	sld [smem:$0x3FDB];
	_ =	sdelay $0x1  }
0x9f: {  	s5 =	simm.s32 $_scs_section_size  }
0xa0: {  	s6 =	simm.s32 $_size__tile_overlayer_lowered;
	s7 =	simm.s32 $_tile_overlayer_lowered  }
0xa1: {  	s22 =	simm.s32 $0x1BFF;
	s21 =	sshll.u32 s7, $0x1;
	s4 =	sadd.s32 s5, s19  }
0xa2: {  	s8 =	simm.s32 $0x0;
	s20 =	sshll.u32 s6, $0x1;
	s6 =	sadd.s32 s21, s4  }
0xa3: {  	[timem:s8], [sflag:s22] =	dma.local [hbm:s6], s20  }
0xa4: {  	_ =	swait.ge [sflag:s22], s20  }
0xa5: {  	s5 =	ssub.s32 $0x0, s20;
	[sflag:s22] =	ssyncset.done $0x0  }
0xa6: {  	[sflag:s22] =	ssyncadd.s32 s5;
	_ =	sdelay $0x1  }
0xa7: {  	s23 =	simm.s32 $0x1B8B  }
0xa8: {  	_ =	swait.ge [sflag:s23], $0x1  }
0xa9: {  	[sflag:s23] =	ssyncset.done $0x0  }
0xaa: {  	s25 =	simm.s32 $0x1B8E;
	s24 =	sld [smem:$0x3FFE];
	[sflag:s23] =	ssyncadd.s32 $0xFFFFFFFF  }
0xab: {  	s26 =	simm.s32 $execute0_lowered;
	[smem:$0x3FD2] =	sst s25  }
0xac: {  	s6 =	sshll.u32 s26, $0x1;
	_ =	strace $0x80000046;
	[dreg:$0x1] =	wrdreg $0xFFFFFFFF  }
0xad: {  	s28 =	simm.s32 $_size_execute0_lowered;
	s4 =	sadd.s32 s4, s6;
	[dreg:$0x0] =	wrdreg $0x0  }
0xae: {  	s6 =	sshll.u32 s28, $0x1;
	[dreg:$0x2] =	wrdreg s4  }
0xaf: {  	[dreg:$0x3] =	wrdreg s6  }
0xb0: {  	[dreg:$0x4] =	wrdreg $0xC0  }
0xb1: {  	_ =	task [dreg:s8], $0x5FFFF  }
0xb2: {  	[dreg:$0x1] =	wrdreg $0xFFFFFFFF  }
0xb3: {  	[dreg:$0x0] =	wrdreg $0x60  }
0xb4: {  	[dreg:$0x2] =	wrdreg s17  }
0xb5: {  	[dreg:$0x3] =	wrdreg s16  }
0xb6: {  	[dreg:$0x4] =	wrdreg s24  }
0xb7: {  	[dreg:$0x5] =	wrdreg $0x9  }
0xb8: {  	_ =	task.clear_ibuf [dreg:s8], $0x6FFFF;
	_ =	strace $0x90000046  }
0xb9: {  	s29 =	simm.s32 $0x9;
	_ =	strace $0x80000048  }
0xba: {  	_ =	swait.ge [sflag:s29], $0x1  }
0xbb: {  	[sflag:s29] =	ssyncadd.s32 $0xFFFFFFFF  }
0xbc: {  	_ =	strace $0x90000048  }
0xbd: {  	_ =	sfence  }
0xbe: {  	s30 =	sld [smem:$0x0];
	_ =	sdelay $0x2  }
0xbf: {  	s31 =	sshll.u32 s1, $0xD;
	s1 =	sshrl.u32 s1, $0x2  }
0xc0: {  	s3 =	sand.u32 $0x4000, s31;
	s1 =	sadd.s32 s1, s30  }
0xc1: {  	s0 =	sor.u32 s3, s0;
	s1 =	sshll.u32 s1, $0x11  }
0xc2: {  	s0 =	sor.u32 s1, s0  }
0xc3: {  	s0 =	sadd.s32 $0x8F2B, s0  }
0xc4: {  	[sflag:s0] =	ssyncadd.remote.s32 $0x1  }
0xc5: {  	_ =	sfence.sel $0xFFFF  }
0xc6: {  	[dreg:$0x0] =	wrdreg $0xFFFFFFFF;
	(pc) =	sbr.abs _section_cstart, $3  }
0xc7: {  	[dreg:$0x1] =	wrdreg $0xFFFFFFFF  }
0xc8: {  	_ =	task.clear_ibuf [dreg:s8], $0x2FFFF;
	_ =	strace $0x9FFFFFFF  }
0xc9: {  	(tm) =	ssettm $0x7FFFFFFF  }
tec
execute0_lowered:
.L_overlay_start_1:
0x0: {  	(tag) =	ssettag $0x1  }
0x1: {  	s13 =	rddreg [dreg:$0x0]  }
0x2: {  	s14 =	rddreg [dreg:$0x1]  }
0x3: {  	s10 =	rddreg [dreg:$0x2];
	s2 =	srdreg.scid  }
0x4: {  	s0 =	rddreg [dreg:$0x3];
	s1 =	stileid.u32;
	s16 =	sand.u32 $0x1, s2  }
0x5: {  	s2 =	simm.s32 $0x0;
	s3 =	sshll.u32 s1, $0x6;
	s4 =	sshll.u32 s16, $0x5  }
0x6: {  	[smem:$0x7FF] =	sst s2;
	s17 =	sor.u32 s4, s3  }
0x7: {  	_ =	strace $0x80000047;
	s3 =	simm.s32 $0x1;
	s4 =	sadd.s32 s13, s17  }
0x8: {  	[tilespmem:s2], [sflag:$0x1] =	stream.linear.gather [hbm4b:s4+s2], $0x80, $0x38;
	[tilespmem:$0x280] =	vst v63  }
0x9: {  	_ =	swait.ge [sflag:s3], $0x80  }
0xa: {  	[sflag:s3] =	ssyncset.done $0x0  }
0xb: {  	s6 =	simm.s32 $0x80;
	s5 =	sadd.s32 s14, s17;
	[sflag:s3] =	ssyncadd.s32 $0xFFFFFF80  }
0xc: {  	[tilespmem:s6], [sflag:$0x1] =	stream.linear.gather [hbm4b:s5+s2], $0x80, $0x38;
	[tilespmem:$0x280] =	vst v63  }
0xd: {  	_ =	swait.ge [sflag:s3], $0x80  }
0xe: {  	s15 =	sadd.s32 $0x1400, s10;
	[sflag:s3] =	ssyncset.done $0x0  }
0xf: {  	s8 =	simm.s32 $0x100;
	s7 =	sadd.s32 s15, s17;
	[sflag:s3] =	ssyncadd.s32 $0xFFFFFF80  }
0x10: {  	[tilespmem:s8], [sflag:$0x1] =	stream.linear.gather [hbm4b:s7+s2], $0x80, $0x38;
	[tilespmem:$0x280] =	vst v63  }
0x11: {  	_ =	swait.ge [sflag:s3], $0x80  }
0x12: {  	[sflag:s3] =	ssyncset.done $0x0  }
0x13: {  	[sflag:s3] =	ssyncadd.s32 $0xFFFFFF80  }
0x14: {  	v0 =	vld [tilespmem:$0x90]  }
0x15: {  	v1 =	vld [tilespmem:$0xA0]  }
0x16: {  	v2 =	vld [tilespmem:$0x130]  }
0x17: {  	v3 =	vld [tilespmem:$0x100]  }
0x18: {  	v4 =	vld [tilespmem:$0x120]  }
0x19: {  	v5 =	vld [tilespmem:$0x110]  }
0x1a: {  	v6 =	vld [tilespmem:$0x80]  }
0x1b: {  	v7 =	vld [tilespmem:$0x30]  }
0x1c: {  	v8 =	vld [tilespmem:$0xB0]  }
0x1d: {  	v9 =	vld [tilespmem:$0x10]  }
0x1e: {  	v10 =	vld [tilespmem:$0x20]  }
0x1f: {  	v11 =	vld [tilespmem:$0x0]  }
0x20: {  	v2 =	vld.idx.msk [tilespmem:v2+s6+$0x0], $0xffff  }
0x21: {  	v3 =	vld.idx.msk [tilespmem:v3+s6+$0x0], $0xffff  }
0x22: {  	v4 =	vld.idx.msk [tilespmem:v4+s6+$0x0], $0xffff  }
0x23: {  	v5 =	vld.idx.msk [tilespmem:v5+s6+$0x0], $0xffff;
	_ =	sdelay $0x2  }
0x24: {  	v12 =	vmin.f32 v6, v0;
	v13 =	vmin.f32 v1, v8  }
0x25: {  	v12 =	vmin.f32 v12, v13;
	v2 =	vmax.f32 v7, v2  }
0x26: {  	v3 =	vmax.f32 v11, v3;
	v5 =	vmax.f32 v9, v5;
	v4 =	vmax.f32 v10, v4  }
0x27: {  	(xrf0) =	vmin.scan.msk.f32 $0xffff, v12;
	v7 =	vmin.f32 v3, v5;
	v9 =	vmin.f32 v4, v2  }
0x28: {  	v7 =	vmin.f32 v7, v9  }
0x29: {  	(xrf0) =	vmin.scan.msk.f32 $0xffff, v7;
	_ =	sdelay $0x3  }
0x2a: {  	v7, _, _ =	vpop (xrf0)  }
0x2b: {  	v7 =	vbroadcast v7, $0xF  }
0x2c: {  	v9, _, _ =	vpop (xrf0)  }
0x2d: {  	v8 =	vsub.f32 v8, v7;
	v9 =	vbroadcast v9, $0xF  }
0x2e: {  	v0 =	vsub.f32 v0, v7  }
0x2f: {  	v1 =	vsub.f32 v1, v7;
	[tilespmem:$0x230] =	vst v8;
	v3 =	vsub.f32 v3, v9  }
0x30: {  	v6 =	vsub.f32 v6, v7;
	[tilespmem:$0x210] =	vst v0;
	v0 =	vsub.f32 v5, v9  }
0x31: {  	[tilespmem:$0x220] =	vst v1;
	v1 =	vsub.f32 v2, v9;
	v2 =	vmul.f32 $9.999999770e-03, v3  }
0x32: {  	[tilespmem:$0x200] =	vst v6;
	v3 =	vsub.f32 v4, v9;
	v0 =	vmul.f32 $9.999999770e-03, v0  }
0x33: {  	v1 =	vmul.f32 $9.999999770e-03, v1;
	[tilespmem:$0x180] =	vst v2  }
0x34: {  	v2 =	vmul.f32 $9.999999770e-03, v3;
	[tilespmem:$0x190] =	vst v0  }
0x35: {  	s18 =	sadd.s32 $0x1800, s10;
	[tilespmem:$0x1B0] =	vst v1  }
0x36: {  	s9 =	simm.s32 $0x180;
	s11 =	sadd.s32 s18, s17;
	[tilespmem:$0x1A0] =	vst v2  }
0x37: {  	[hbm4b:s11+s2] =	stream.linear.scatter [tilespmem:s9], [sflag:$0x1], $0x80, $0x38;
	[tilespmem:$0x280] =	vst v63  }
0x38: {  	_ =	swait.ge [sflag:s3], $0x80  }
0x39: {  	s19 =	sadd.s32 $0x1C00, s10;
	[sflag:s3] =	ssyncset.done $0x0  }
0x3a: {  	s10 =	simm.s32 $0x200;
	s12 =	sadd.s32 s19, s17;
	[sflag:s3] =	ssyncadd.s32 $0xFFFFFF80  }
0x3b: {  	[hbm4b:s12+s2] =	stream.linear.scatter [tilespmem:s10], [sflag:$0x1], $0x80, $0x38;
	[tilespmem:$0x280] =	vst v63  }
0x3c: {  	_ =	swait.ge [sflag:s3], $0x80  }
0x3d: {  	s20 =	sor.u32 $0x10, s17;
	[sflag:s3] =	ssyncset.done $0x0  }
0x3e: {  	s13 =	sadd.s32 s13, s20;
	[sflag:s3] =	ssyncadd.s32 $0xFFFFFF80  }
0x3f: {  	[tilespmem:s2], [sflag:$0x1] =	stream.linear.gather [hbm4b:s13+s2], $0x80, $0x38;
	[tilespmem:$0x280] =	vst v63  }
0x40: {  	_ =	swait.ge [sflag:s3], $0x80  }
0x41: {  	[sflag:s3] =	ssyncset.done $0x0  }
0x42: {  	s14 =	sadd.s32 s14, s20;
	[sflag:s3] =	ssyncadd.s32 $0xFFFFFF80  }
0x43: {  	[tilespmem:s6], [sflag:$0x1] =	stream.linear.gather [hbm4b:s14+s2], $0x80, $0x38;
	[tilespmem:$0x280] =	vst v63  }
0x44: {  	_ =	swait.ge [sflag:s3], $0x80  }
0x45: {  	[sflag:s3] =	ssyncset.done $0x0  }
0x46: {  	s15 =	sadd.s32 s15, s20;
	[sflag:s3] =	ssyncadd.s32 $0xFFFFFF80  }
0x47: {  	[tilespmem:s8], [sflag:$0x1] =	stream.linear.gather [hbm4b:s15+s2], $0x80, $0x38;
	[tilespmem:$0x280] =	vst v63  }
0x48: {  	_ =	swait.ge [sflag:s3], $0x80  }
0x49: {  	[sflag:s3] =	ssyncset.done $0x0  }
0x4a: {  	[sflag:s3] =	ssyncadd.s32 $0xFFFFFF80  }
0x4b: {  	v0 =	vld [tilespmem:$0xB0]  }
0x4c: {  	v2 =	vld [tilespmem:$0x110]  }
0x4d: {  	v3 =	vld [tilespmem:$0x120]  }
0x4e: {  	v4 =	vld [tilespmem:$0x130]  }
0x4f: {  	v5 =	vld [tilespmem:$0x100]  }
0x50: {  	v7 =	vld [tilespmem:$0x30]  }
0x51: {  	v8 =	vld [tilespmem:$0x20]  }
0x52: {  	v9 =	vld [tilespmem:$0x10]  }
0x53: {  	v1 =	vld [tilespmem:$0x80]  }
0x54: {  	v6 =	vld [tilespmem:$0x90]  }
0x55: {  	v2 =	vld.idx.msk [tilespmem:v2+s6+$0x0], $0xffff  }
0x56: {  	v10 =	vld.idx.msk [tilespmem:v3+s6+$0x0], $0xffff  }
0x57: {  	s16 =	ssub.s32 $0x2, s16;
	v11 =	vld.idx.msk [tilespmem:v4+s6+$0x0], $0xffff  }
0x58: {  	s31 =	sshrl.u32 s16, $0x1;
	v4 =	vld [tilespmem:$0xA0]  }
0x59: {  	s16 =	ssub.s32 s16, s31;
	v62 =	vld [tilespmem:$0x0]  }
0x5a: {  	s21 =	smax.u32 s16, $0x1;
	v63 =	vld.idx.msk [tilespmem:v5+s6+$0x0], $0xffff  }
0x5b: {  	p0 =	sne.s32 s21, $0x1  }
.Ltmp0:
0x5c: {  	v3 =	vmax.f32 v9, v2;
	(pc) =	sbr.rel @!p0 .LBB2_2-.Ltmp0, $4  }
0x5d: {  	v2 =	vmax.f32 v8, v10;
	v8 =	vmin.f32 v1, v6;
	v9 =	vmin.f32 v4, v0  }
0x5e: {  	v9 =	vmin.f32 v8, v9  }
0x5f: {  	v5 =	vmax.f32 v7, v11;
	v7 =	vmax.f32 v62, v63;
	(xrf0) =	vmin.scan.msk.f32 $0xffff, v9  }
0x60: {  	s17 =	sadd.s32 s18, s20;
	s16 =	sadd.s32 s19, s20;
	s18 =	sadd.s32 $0xFFFFFFFF, s21;
	v8 =	vmin.f32 v2, v5;
	v9 =	vmin.f32 v7, v3  }
.LBB2_1:
0x61: {  	p0 =	sne.s32 s18, $0x1;
	s18 =	sadd.s32 $0xFFFFFFFF, s18;
	v8 =	vmin.f32 v9, v8  }
0x62: {  	(xrf0) =	vmin.scan.msk.f32 $0xffff, v8;
	_ =	sdelay $0x2  }
0x63: {  	v8, _, _ =	vpop (xrf0)  }
0x64: {  	v8 =	vbroadcast v8, $0xF;
	_ =	sdelay $0x1  }
0x65: {  	v6 =	vsub.f32 v6, v8;
	v9, _, _ =	vpop (xrf0)  }
0x66: {  	v4 =	vsub.f32 v4, v8;
	v9 =	vbroadcast v9, $0xF  }
0x67: {  	v1 =	vsub.f32 v1, v8;
	[tilespmem:$0x210] =	vst v6  }
0x68: {  	v6 =	vsub.f32 v7, v9;
	v3 =	vsub.f32 v3, v9;
	[tilespmem:$0x220] =	vst v4  }
0x69: {  	[tilespmem:$0x200] =	vst v1;
	v1 =	vsub.f32 v2, v9;
	v2 =	vsub.f32 v5, v9  }
0x6a: {  	v0 =	vsub.f32 v0, v8;
	v4 =	vmul.f32 $9.999999770e-03, v6;
	v3 =	vmul.f32 $9.999999770e-03, v3  }
0x6b: {  	v1 =	vmul.f32 $9.999999770e-03, v1  }
0x6c: {  	v2 =	vmul.f32 $9.999999770e-03, v2;
	[tilespmem:$0x230] =	vst v0  }
0x6d: {  	[tilespmem:$0x180] =	vst v4  }
0x6e: {  	[tilespmem:$0x1B0] =	vst v2  }
0x6f: {  	[tilespmem:$0x190] =	vst v3  }
0x70: {  	[tilespmem:$0x1A0] =	vst v1  }
0x71: {  	[hbm4b:s17+s2] =	stream.linear.scatter [tilespmem:s9], [sflag:$0x1], $0x80, $0x38;
	[tilespmem:$0x280] =	vst v63  }
0x72: {  	_ =	swait.ge [sflag:s3], $0x80  }
0x73: {  	[sflag:s3] =	ssyncset.done $0x0  }
0x74: {  	[sflag:s3] =	ssyncadd.s32 $0xFFFFFF80  }
0x75: {  	[hbm4b:s16+s2] =	stream.linear.scatter [tilespmem:s10], [sflag:$0x1], $0x80, $0x38;
	[tilespmem:$0x280] =	vst v63  }
0x76: {  	_ =	swait.ge [sflag:s3], $0x80  }
0x77: {  	[sflag:s3] =	ssyncset.done $0x0  }
0x78: {  	[sflag:s3] =	ssyncadd.s32 $0xFFFFFF80;
	_ =	sdelay $0x2  }
0x79: {  	[tilespmem:s2], [sflag:$0x1] =	stream.linear.gather [hbm4b:s4+s2], $0x80, $0x38;
	[tilespmem:$0x280] =	vst v63  }
0x7a: {  	_ =	swait.ge [sflag:s3], $0x80  }
0x7b: {  	[sflag:s3] =	ssyncset.done $0x0  }
0x7c: {  	[sflag:s3] =	ssyncadd.s32 $0xFFFFFF80  }
0x7d: {  	[tilespmem:s6], [sflag:$0x1] =	stream.linear.gather [hbm4b:s5+s2], $0x80, $0x38;
	[tilespmem:$0x280] =	vst v63  }
0x7e: {  	_ =	swait.ge [sflag:s3], $0x80  }
0x7f: {  	[sflag:s3] =	ssyncset.done $0x0  }
0x80: {  	[sflag:s3] =	ssyncadd.s32 $0xFFFFFF80  }
0x81: {  	[tilespmem:s8], [sflag:$0x1] =	stream.linear.gather [hbm4b:s7+s2], $0x80, $0x38;
	[tilespmem:$0x280] =	vst v63  }
0x82: {  	_ =	swait.ge [sflag:s3], $0x80  }
0x83: {  	[sflag:s3] =	ssyncset.done $0x0  }
0x84: {  	[sflag:s3] =	ssyncadd.s32 $0xFFFFFF80  }
0x85: {  	v0 =	vld [tilespmem:$0x90]  }
0x86: {  	v1 =	vld [tilespmem:$0xA0]  }
0x87: {  	v2 =	vld [tilespmem:$0x130]  }
0x88: {  	v3 =	vld [tilespmem:$0x100]  }
0x89: {  	v4 =	vld [tilespmem:$0x120]  }
0x8a: {  	v5 =	vld [tilespmem:$0x110]  }
0x8b: {  	v6 =	vld [tilespmem:$0x80]  }
0x8c: {  	v7 =	vld [tilespmem:$0x30]  }
0x8d: {  	v8 =	vld [tilespmem:$0xB0]  }
0x8e: {  	v9 =	vld [tilespmem:$0x10]  }
0x8f: {  	v2 =	vld.idx.msk [tilespmem:v2+s6+$0x0], $0xffff  }
0x90: {  	v3 =	vld.idx.msk [tilespmem:v3+s6+$0x0], $0xffff  }
0x91: {  	v4 =	vld.idx.msk [tilespmem:v4+s6+$0x0], $0xffff  }
0x92: {  	v11 =	vmin.f32 v6, v0;
	v10 =	vld [tilespmem:$0x20]  }
0x93: {  	v12 =	vmin.f32 v1, v8;
	v5 =	vld.idx.msk [tilespmem:v5+s6+$0x0], $0xffff  }
0x94: {  	v11 =	vmin.f32 v11, v12;
	v13 =	vld [tilespmem:$0x0];
	_ =	sdelay $0x2  }
0x95: {  	(xrf0) =	vmin.scan.msk.f32 $0xffff, v11  }
0x96: {  	v2 =	vmax.f32 v7, v2  }
0x97: {  	v4 =	vmax.f32 v10, v4;
	v5 =	vmax.f32 v9, v5;
	v3 =	vmax.f32 v13, v3  }
0x98: {  	v9 =	vmin.f32 v4, v2;
	v7 =	vmin.f32 v3, v5  }
0x99: {  	v9 =	vmin.f32 v7, v9  }
0x9a: {  	(xrf0) =	vmin.scan.msk.f32 $0xffff, v9  }
0x9b: {  	v7, _, _ =	vpop (xrf0)  }
0x9c: {  	v7 =	vbroadcast v7, $0xF;
	_ =	sdelay $0x1  }
0x9d: {  	v6 =	vsub.f32 v6, v7;
	v8 =	vsub.f32 v8, v7  }
0x9e: {  	v0 =	vsub.f32 v0, v7  }
0x9f: {  	v1 =	vsub.f32 v1, v7;
	[tilespmem:$0x230] =	vst v8;
	v7, _, _ =	vpop (xrf0)  }
0xa0: {  	v7 =	vbroadcast v7, $0xF;
	[tilespmem:$0x210] =	vst v0  }
0xa1: {  	[tilespmem:$0x220] =	vst v1  }
0xa2: {  	v0 =	vsub.f32 v3, v7;
	[tilespmem:$0x200] =	vst v6;
	v1 =	vsub.f32 v5, v7  }
0xa3: {  	v3 =	vsub.f32 v4, v7;
	v2 =	vsub.f32 v2, v7  }
0xa4: {  	v0 =	vmul.f32 $9.999999770e-03, v0;
	v1 =	vmul.f32 $9.999999770e-03, v1  }
0xa5: {  	v3 =	vmul.f32 $9.999999770e-03, v3;
	v2 =	vmul.f32 $9.999999770e-03, v2  }
0xa6: {  	[tilespmem:$0x180] =	vst v0  }
0xa7: {  	[tilespmem:$0x190] =	vst v1  }
0xa8: {  	[tilespmem:$0x1B0] =	vst v2  }
0xa9: {  	[tilespmem:$0x1A0] =	vst v3  }
0xaa: {  	[hbm4b:s11+s2] =	stream.linear.scatter [tilespmem:s9], [sflag:$0x1], $0x80, $0x38;
	[tilespmem:$0x280] =	vst v63  }
0xab: {  	_ =	swait.ge [sflag:s3], $0x80  }
0xac: {  	[sflag:s3] =	ssyncset.done $0x0  }
0xad: {  	[sflag:s3] =	ssyncadd.s32 $0xFFFFFF80  }
0xae: {  	[hbm4b:s12+s2] =	stream.linear.scatter [tilespmem:s10], [sflag:$0x1], $0x80, $0x38;
	[tilespmem:$0x280] =	vst v63  }
0xaf: {  	_ =	swait.ge [sflag:s3], $0x80  }
0xb0: {  	[sflag:s3] =	ssyncset.done $0x0  }
0xb1: {  	[sflag:s3] =	ssyncadd.s32 $0xFFFFFF80  }
0xb2: {  	[tilespmem:s2], [sflag:$0x1] =	stream.linear.gather [hbm4b:s13+s2], $0x80, $0x38;
	[tilespmem:$0x280] =	vst v63  }
0xb3: {  	_ =	swait.ge [sflag:s3], $0x80  }
0xb4: {  	[sflag:s3] =	ssyncset.done $0x0  }
0xb5: {  	[sflag:s3] =	ssyncadd.s32 $0xFFFFFF80  }
0xb6: {  	[tilespmem:s6], [sflag:$0x1] =	stream.linear.gather [hbm4b:s14+s2], $0x80, $0x38;
	[tilespmem:$0x280] =	vst v63  }
0xb7: {  	_ =	swait.ge [sflag:s3], $0x80  }
0xb8: {  	[sflag:s3] =	ssyncset.done $0x0  }
0xb9: {  	[sflag:s3] =	ssyncadd.s32 $0xFFFFFF80  }
0xba: {  	[tilespmem:s8], [sflag:$0x1] =	stream.linear.gather [hbm4b:s15+s2], $0x80, $0x38;
	[tilespmem:$0x280] =	vst v63  }
0xbb: {  	_ =	swait.ge [sflag:s3], $0x80  }
0xbc: {  	[sflag:s3] =	ssyncset.done $0x0  }
0xbd: {  	[sflag:s3] =	ssyncadd.s32 $0xFFFFFF80  }
0xbe: {  	v0 =	vld [tilespmem:$0xB0]  }
0xbf: {  	v2 =	vld [tilespmem:$0x110]  }
0xc0: {  	v3 =	vld [tilespmem:$0x120]  }
0xc1: {  	v4 =	vld [tilespmem:$0x130]  }
0xc2: {  	v5 =	vld [tilespmem:$0x100]  }
0xc3: {  	v7 =	vld [tilespmem:$0x30]  }
0xc4: {  	v8 =	vld [tilespmem:$0x20]  }
0xc5: {  	v9 =	vld [tilespmem:$0x10]  }
0xc6: {  	v1 =	vld [tilespmem:$0x80]  }
0xc7: {  	v2 =	vld.idx.msk [tilespmem:v2+s6+$0x0], $0xffff  }
0xc8: {  	v10 =	vld.idx.msk [tilespmem:v3+s6+$0x0], $0xffff  }
0xc9: {  	v11 =	vld.idx.msk [tilespmem:v4+s6+$0x0], $0xffff  }
0xca: {  	v12 =	vld [tilespmem:$0x0]  }
0xcb: {  	v6 =	vld [tilespmem:$0x90]  }
0xcc: {  	v4 =	vld [tilespmem:$0xA0]  }
0xcd: {  	v3 =	vmax.f32 v9, v2;
	v13 =	vld.idx.msk [tilespmem:v5+s6+$0x0], $0xffff  }
0xce: {  	v2 =	vmax.f32 v8, v10  }
0xcf: {  	v5 =	vmax.f32 v7, v11  }
.Ltmp1:
0xd0: {  	v8 =	vmin.f32 v2, v5;
	v7 =	vmin.f32 v1, v6;
	(pc) =	sbr.rel @p0 .LBB2_1-.Ltmp1, $4  }
0xd1: {  	v9 =	vmin.f32 v4, v0  }
0xd2: {  	v9 =	vmin.f32 v7, v9  }
0xd3: {  	v7 =	vmax.f32 v12, v13;
	(xrf0) =	vmin.scan.msk.f32 $0xffff, v9  }
0xd4: {  	v9 =	vmin.f32 v7, v3  }
.LBB2_2:
0xd5: {  	v8 =	vmin.f32 v9, v8  }
0xd6: {  	(xrf0) =	vmin.scan.msk.f32 $0xffff, v8;
	_ =	sdelay $0x3  }
0xd7: {  	v57, _, _ =	vpop (xrf0)  }
0xd8: {  	v8 =	vbroadcast v57, $0xF  }
0xd9: {  	v58, _, _ =	vpop (xrf0)  }
0xda: {  	v6 =	vsub.f32 v6, v8;
	v9 =	vbroadcast v58, $0xF  }
0xdb: {  	v4 =	vsub.f32 v4, v8  }
0xdc: {  	v1 =	vsub.f32 v1, v8;
	[tilespmem:$0x210] =	vst v6;
	v59 =	vsub.f32 v7, v9  }
0xdd: {  	v0 =	vsub.f32 v0, v8;
	[tilespmem:$0x220] =	vst v4;
	v60 =	vsub.f32 v5, v9  }
0xde: {  	[tilespmem:$0x200] =	vst v1;
	v3 =	vsub.f32 v3, v9;
	v61 =	vmul.f32 $9.999999770e-03, v59  }
0xdf: {  	[tilespmem:$0x230] =	vst v0;
	v2 =	vsub.f32 v2, v9;
	v4 =	vmul.f32 $9.999999770e-03, v60  }
0xe0: {  	v62 =	vmul.f32 $9.999999770e-03, v3;
	[tilespmem:$0x180] =	vst v61  }
0xe1: {  	v63 =	vmul.f32 $9.999999770e-03, v2;
	[tilespmem:$0x1B0] =	vst v4  }
0xe2: {  	[tilespmem:$0x190] =	vst v62  }
0xe3: {  	[tilespmem:$0x1A0] =	vst v63  }
0xe4: {  	[hbm4b:s17+s2] =	stream.linear.scatter [tilespmem:s9], [sflag:$0x1], $0x80, $0x38;
	[tilespmem:$0x280] =	vst v63  }
0xe5: {  	_ =	swait.ge [sflag:s3], $0x80  }
0xe6: {  	[sflag:s3] =	ssyncset.done $0x0  }
0xe7: {  	[sflag:s3] =	ssyncadd.s32 $0xFFFFFF80  }
0xe8: {  	[hbm4b:s16+s2] =	stream.linear.scatter [tilespmem:s10], [sflag:$0x1], $0x80, $0x38;
	[tilespmem:$0x280] =	vst v63  }
0xe9: {  	_ =	swait.ge [sflag:s3], $0x80  }
0xea: {  	[sflag:s3] =	ssyncset.done $0x0  }
0xeb: {  	[sflag:s3] =	ssyncadd.s32 $0xFFFFFF80  }
0xec: {  	_ =	sfence.sel $0x180000  }
0xed: {  	[bflag:$0x0] =	sbarrier.arrive $0xFFFF  }
0xee: {  	p0 =	sne.s32 s1, $0x0;
	_ =	strace $0x90000047  }
0xef: {  	s0 =	sadd.s32 @!p0 $0x100000, s0;
	[bflag:$0x2] =	sbarrier.arrive $0xFFFF  }
0xf0: {  	[sflag:s0] =	ssyncadd.tile.s32 @!p0 $0x1;
	_ =	shalt  }
.Lfunc_end2:
_tile_overlayer_lowered:
.L_overlay_start_2:
0xf1: {  	(tag) =	ssettag $0x2  }
0xf2: {  	s0 =	rddreg [dreg:$0x0];
	s2 =	stileid.u32  }
0xf3: {  	s1 =	rddreg [dreg:$0x1];
	p0 =	sne.s32 s2, $0x0  }
0xf4: {  	s3 =	rddreg [dreg:$0x2];
	[bflag:$0x3] =	sbarrier.arrive $0xFFFF;
	s2 =	simm.s32 @!p0 $0x1C01  }
0xf5: {  	[timem:s3], [sflag:s2] =	dma.local @!p0 [hbm:s0], s1  }
0xf6: {  	s0 =	simm.s32 @!p0 $0x1  }
0xf7: {  	_ =	swait.ge @!p0 [sflag:s0], s1  }
0xf8: {  	s1 =	ssub.s32 @!p0 $0x0, s1;
	[sflag:s0] =	ssyncset.done @!p0 $0x0  }
0xf9: {  	[sflag:s0] =	ssyncadd.s32 @!p0 s1  }
0xfa: {  	[bflag:$0x3] =	sbarrier.arrive $0xFFFF  }
0xfb: {  	_ =	shalt  }

</sc_bundles>
